<compile_context>
chip_gen: v7x
topology: tpu7x:2x2x1
jax: 0.10.2.dev20260603
libtpu: 0.0.44.dev20260713+nightly
codegen_flags: <defaults>
</compile_context>

<pallas_src>
import functools

import jax
import jax.numpy as jnp
from jax import lax
from jax.experimental import pallas as pl
from jax.experimental.pallas import tpu as pltpu
from jax.experimental.pallas import tpu_sc as plsc

TEMPERATURE = 0.5
THRESHOLD = 0.95

_LN2 = 0.6931471805599453


def _vlog(x):
    bits = lax.bitcast_convert_type(x, jnp.int32)
    e = lax.shift_right_logical(bits, 23) - 127
    mb = lax.bitwise_or(lax.bitwise_and(bits, 0x7FFFFF), 0x3F800000)
    m = lax.bitcast_convert_type(mb, jnp.float32)
    t = (m - 1.0) / (m + 1.0)
    t2 = t * t
    p = t * (2.0 + t2 * (0.6666666666 + t2 * (0.4 + t2 * (0.2857142857 + t2 * 0.2222222222))))
    return e.astype(jnp.float32) * _LN2 + p


def _make_sc_call(B, C, N, NP):
    info = plsc.get_sparse_core_info()
    NW = info.num_cores * info.num_subcores
    rows_w = B // NW
    hgroups = NP // 16

    mesh = plsc.VectorSubcoreMesh(core_axis_name="c", subcore_axis_name="s")

    @functools.partial(
        pl.kernel,
        mesh=mesh,
        compiler_params=pltpu.CompilerParams(needs_layout_passes=False),
        out_type=jax.ShapeDtypeStruct((NW, 16), jnp.float32),
        scratch_types=[
            pltpu.VMEM((C, rows_w), jnp.float32),
            pltpu.VMEM((C, rows_w), jnp.float32),
            pltpu.VMEM((rows_w,), jnp.int32),
            pltpu.VMEM((C, C), jnp.float32),
            pltpu.VMEM((NP,), jnp.int32),
            pltpu.VMEM((NP,), jnp.int32),
            pltpu.VMEM(((C + 1) * 16,), jnp.float32),
            pltpu.VMEM((256,), jnp.float32),
            pltpu.VMEM((C * 16,), jnp.float32),
            pltpu.VMEM((16,), jnp.float32),
            pltpu.VMEM((16,), jnp.float32),
            pltpu.SemaphoreType.DMA,
            pltpu.SemaphoreType.DMA,
            pltpu.SemaphoreType.DMA,
            pltpu.SemaphoreType.DMA,
            pltpu.SemaphoreType.DMA,
            pltpu.SemaphoreType.DMA,
        ],
    )
    def sc_call(ls_hbm, lw_hbm, y_hbm, T_hbm, yt_hbm, yh_hbm, out_hbm,
                ls_v, lw_v, y_v, T_v, yt_v, yh_v,
                cnt_v, M_v, F_v, beta_v, ob_v,
                s_yt, s_yh, s_T, s_y, s_lw, s_ls):
        wid = lax.axis_index("s") * info.num_cores + lax.axis_index("c")
        row0 = wid * rows_w
        cp_yt = pltpu.async_copy(yt_hbm, yt_v.at[pl.ds(0, N)], s_yt)
        cp_yh = pltpu.async_copy(yh_hbm, yh_v.at[pl.ds(0, N)], s_yh)
        cp_T = pltpu.async_copy(T_hbm, T_v, s_T)
        cp_y = pltpu.async_copy(y_hbm.at[pl.ds(row0, rows_w)], y_v, s_y)
        cp_lw = pltpu.async_copy(lw_hbm.at[:, pl.ds(row0, rows_w)], lw_v, s_lw)
        cp_ls = pltpu.async_copy(ls_hbm.at[:, pl.ds(row0, rows_w)], ls_v, s_ls)

        iota = lax.iota(jnp.int32, 16)
        zeros = jnp.zeros((16,), jnp.float32)

        def zero_body(j, carry):
            cnt_v[pl.ds(j * 16, 16)] = zeros
            return carry

        lax.fori_loop(0, C + 1, zero_body, 0)

        cp_yt.wait()
        cp_yh.wait()
        if N % 16:
            tail = NP - 16
            nvalid = N - tail
            tv = yt_v[pl.ds(tail, 16)]
            yt_v[pl.ds(tail, 16)] = jnp.where(iota < nvalid, tv, C)
            hv = yh_v[pl.ds(tail, 16)]
            yh_v[pl.ds(tail, 16)] = jnp.where(iota < nvalid, hv, 0)

        ones = jnp.ones((16,), jnp.float32)

        def hist_body(g, carry):
            ty = yt_v[pl.ds(g * 16, 16)]
            th = yh_v[pl.ds(g * 16, 16)]
            plsc.addupdate_scatter(cnt_v, [ty * 16 + th], ones)
            return carry

        lax.fori_loop(0, hgroups, hist_body, 0)

        iota16 = iota * 16

        def comb(a, carry):
            colsum, dy = carry
            row = cnt_v[pl.ds(a * 16, 16)]
            colsum = colsum + row
            dy = jnp.where(iota == a, jnp.sum(row) * (1.0 / N), dy)
            return colsum, dy

        colsum, dy = lax.fori_loop(0, C, comb, (zeros, zeros))

        def mpass(a, msum):
            row = cnt_v[pl.ds(a * 16, 16)]
            c10 = jnp.sum(jnp.where(iota == C, row, 0.0))
            mrow = row + c10 * dy
            M_v[pl.ds(a * 16, 16)] = mrow
            return msum + mrow

        msum = lax.fori_loop(0, C, mpass, zeros)

        cp_T.wait()
        lane_valid = iota < C
        cfull = jnp.zeros((16,), jnp.int32)

        def fpass(c, carry):
            trow = plsc.load_gather(T_v, [cfull + c, iota], mask=lane_valid)
            mcol = plsc.load_gather(M_v, [iota16 + c])
            msum_c = jnp.sum(jnp.where(iota == c, msum, 0.0))
            F_v[pl.ds(c * 16, 16)] = trow * msum_c / mcol
            return carry

        lax.fori_loop(0, C, fpass, 0)
        bmax = jnp.max(colsum)
        beta_v[...] = colsum / (2.0 * bmax - colsum)

        cp_y.wait()
        cp_lw.wait()
        cp_ls.wait()

        def grp(g, acc):
            rvec = g * 16 + iota
            yv = y_v[pl.ds(g * 16, 16)]
            lw = [lw_v[c, pl.ds(g * 16, 16)] for c in range(C)]
            m = lw[0]
            for c in range(1, C):
                m = jnp.maximum(m, lw[c])
            best = None
            for c in range(C):
                e = jnp.exp((lw[c] - m) * (1.0 / TEMPERATURE))
                f = plsc.load_gather(F_v, [yv + c * 16])
                w = e * f
                if c == 0:
                    best, barg, ssum = w, jnp.zeros((16,), jnp.int32), w
                else:
                    gt = w > best
                    barg = jnp.where(gt, c, barg)
                    best = jnp.where(gt, w, best)
                    ssum = ssum + w
            maxp = best / ssum
            bt = plsc.load_gather(beta_v, [barg])
            msk = maxp > THRESHOLD * bt
            ls = [ls_v[c, pl.ds(g * 16, 16)] for c in range(C)]
            m2 = ls[0]
            for c in range(1, C):
                m2 = jnp.maximum(m2, ls[c])
            s2 = jnp.exp(ls[0] - m2)
            for c in range(1, C):
                s2 = s2 + jnp.exp(ls[c] - m2)
            lst = plsc.load_gather(ls_v, [barg, rvec])
            ce = m2 + _vlog(s2) - lst
            return acc + jnp.where(msk, ce, 0.0)

        acc = lax.fori_loop(0, rows_w // 16, grp, zeros)
        total = jnp.sum(acc)
        ob_v[...] = jnp.where(iota == 0, total, 0.0)
        pltpu.sync_copy(ob_v, out_hbm.at[wid])

    return sc_call


def kernel(logits_s, logits_w, y, T, Y_tilde, Y_hat):
    B, C = logits_s.shape
    N = Y_tilde.shape[0]
    NP = ((N + 15) // 16) * 16
    sc_call = _make_sc_call(B, C, N, NP)
    partials = sc_call(logits_s.T, logits_w.T, y.astype(jnp.int32), T,
                       Y_tilde.astype(jnp.int32), Y_hat.astype(jnp.int32))
    return jnp.sum(partials) / B

# --- scband reference (transcript-rebuilt; emitter-appended) ---
"""Pipeline reference for scband-noisy-flex-match-cross-entropy-42271068127643 (READ-ONLY COPY).

The authoritative reference and input builder live on the scoring server;
editing this copy changes nothing except your own understanding.
"""

import jax, jax.numpy as jnp
import numpy as np

TEMPERATURE = 0.5
THRESHOLD = 0.95


def setup_inputs(seed: int = 0) -> dict:
    key = jax.random.key(seed)
    k1, k2, k3 = jax.random.split(key, 3)
    B, C, N = 16384, 10, 500
    logits_s = jax.random.normal(k1, (B, C), dtype=jnp.float32)
    logits_w = jax.random.normal(k2, (B, C), dtype=jnp.float32)
    y = jax.random.randint(k3, (B,), 0, C)
    # buffers built in __init__: noisy labels Y_tilde, pseudo-labels Y_hat (init to C), transition matrix T
    Y_tilde = jnp.tile(jnp.arange(C, dtype=jnp.int32), N // C)
    Y_hat = jnp.full((N,), C, dtype=jnp.int32)
    T = jnp.full((C, C), 0.02, dtype=jnp.float32).at[jnp.arange(C), jnp.arange(C)].set(0.82)
    return {"logits_s": logits_s, "logits_w": logits_w, "y": y, "T": T, "Y_tilde": Y_tilde, "Y_hat": Y_hat}


def reference(logits_s, logits_w, y, T, Y_tilde, Y_hat):
    C = T.shape[0]
    N = Y_tilde.shape[0]
    # scatter-add histogram of (noisy label, current pseudo label) pairs
    counts = jnp.zeros((C, C + 1), dtype=jnp.float32).at[Y_tilde, Y_hat].add(1.0)
    Dy = jnp.bincount(Y_tilde, length=C).astype(jnp.float32) / N
    M = counts[:, :-1] + counts[:, -1:] * Dy
    M = M / M.sum(axis=0)
    probs = jax.nn.softmax(logits_w / TEMPERATURE, axis=-1)
    probs = probs * T[:, y].T / M[y]
    probs = probs / probs.sum(axis=-1, keepdims=True)
    max_probs = jnp.max(probs, axis=-1)
    targets = jnp.argmax(probs, axis=-1)
    beta = jnp.bincount(Y_hat, length=C + 1).astype(jnp.float32)
    beta = beta / beta.max()
    beta = beta / (2.0 - beta)
    masks = (max_probs > THRESHOLD * beta[targets]).astype(jnp.float32)
    logp = jax.nn.log_softmax(logits_s, axis=-1)
    ce = -jnp.take_along_axis(logp, targets[:, None], axis=1)[:, 0]
    loss = ce * masks
    return loss.mean()

if __name__ == "__main__":
    import jax
    _d = setup_inputs()
    print(jax.jit(kernel)(*tuple(_d.values())))

</pallas_src>

<mosaic_0001>
#map = affine_map<(d0, d1) -> (0, 0)>
#map1 = affine_map<(d0, d1) -> (0)>
module attributes {stable_mosaic.version = 14 : i64} {
  func.func @sc_call(%arg0: i32, %arg1: i32, %arg2: memref<10x16384xf32, #tpu.memory_space<hbm>>, %arg3: memref<10x16384xf32, #tpu.memory_space<hbm>>, %arg4: memref<16384xi32, #tpu.memory_space<hbm>>, %arg5: memref<10x10xf32, #tpu.memory_space<hbm>>, %arg6: memref<500xi32, #tpu.memory_space<hbm>>, %arg7: memref<500xi32, #tpu.memory_space<hbm>>, %arg8: memref<32x16xf32, #tpu.memory_space<hbm>>, %arg9: memref<10x512xf32, #tpu.memory_space<vmem>>, %arg10: memref<10x512xf32, #tpu.memory_space<vmem>>, %arg11: memref<512xi32, #tpu.memory_space<vmem>>, %arg12: memref<10x10xf32, #tpu.memory_space<vmem>>, %arg13: memref<512xi32, #tpu.memory_space<vmem>>, %arg14: memref<512xi32, #tpu.memory_space<vmem>>, %arg15: memref<176xf32, #tpu.memory_space<vmem>>, %arg16: memref<256xf32, #tpu.memory_space<vmem>>, %arg17: memref<160xf32, #tpu.memory_space<vmem>>, %arg18: memref<16xf32, #tpu.memory_space<vmem>>, %arg19: memref<16xf32, #tpu.memory_space<vmem>>, %arg20: memref<!tpu.dma_semaphore, #tpu.memory_space<semaphore_mem>>, %arg21: memref<!tpu.dma_semaphore, #tpu.memory_space<semaphore_mem>>, %arg22: memref<!tpu.dma_semaphore, #tpu.memory_space<semaphore_mem>>, %arg23: memref<!tpu.dma_semaphore, #tpu.memory_space<semaphore_mem>>, %arg24: memref<!tpu.dma_semaphore, #tpu.memory_space<semaphore_mem>>, %arg25: memref<!tpu.dma_semaphore, #tpu.memory_space<semaphore_mem>>) attributes {dimension_semantics = [#tpu.dimension_semantics<core_parallel>, #tpu.dimension_semantics<subcore_parallel>], iteration_bounds = array<i64: 2, 16>, scalar_prefetch = 0 : i64, scratch_operands = 17 : i64, tpu.core_type = #tpu.core_type<sc_vector_subcore>, window_params = [{transform_indices = #map}, {transform_indices = #map}, {transform_indices = #map1}, {transform_indices = #map}, {transform_indices = #map1}, {transform_indices = #map1}, {transform_indices = #map}]} {
    %mul3A = arith.constant 2 : i32
    %mul3A_0 = arith.muli %arg1, %mul3A : i32
    %add3A = arith.addi %mul3A_0, %arg0 : i32
    %mul3A_1 = arith.constant 512 : i32
    %mul3A_2 = arith.muli %add3A, %mul3A_1 : i32
    %dma_start3A = arith.constant 0 : i32
    %dma_start3A_3 = tpu.memref_slice %arg13[%dma_start3A] : memref<512xi32, #tpu.memory_space<vmem>> -> memref<500xi32, #tpu.memory_space<vmem>>
    %dma_start3A_4 = arith.constant 0 : i32
    %dma_start3A_5 = tpu.memref_slice %arg13[%dma_start3A_4] : memref<512xi32, #tpu.memory_space<vmem>> -> memref<500xi32, #tpu.memory_space<vmem>>
    tpu.enqueue_dma source(%arg6 : memref<500xi32, #tpu.memory_space<hbm>>) target(%dma_start3A_5 : memref<500xi32, #tpu.memory_space<vmem>>) target_semaphore(%arg20 : memref<!tpu.dma_semaphore, #tpu.memory_space<semaphore_mem>>)
    %dma_start3A_6 = arith.constant 0 : i32
    %dma_start3A_7 = tpu.memref_slice %arg14[%dma_start3A_6] : memref<512xi32, #tpu.memory_space<vmem>> -> memref<500xi32, #tpu.memory_space<vmem>>
    %dma_start3A_8 = arith.constant 0 : i32
    %dma_start3A_9 = tpu.memref_slice %arg14[%dma_start3A_8] : memref<512xi32, #tpu.memory_space<vmem>> -> memref<500xi32, #tpu.memory_space<vmem>>
    tpu.enqueue_dma source(%arg7 : memref<500xi32, #tpu.memory_space<hbm>>) target(%dma_start3A_9 : memref<500xi32, #tpu.memory_space<vmem>>) target_semaphore(%arg21 : memref<!tpu.dma_semaphore, #tpu.memory_space<semaphore_mem>>)
    tpu.enqueue_dma source(%arg5 : memref<10x10xf32, #tpu.memory_space<hbm>>) target(%arg12 : memref<10x10xf32, #tpu.memory_space<vmem>>) target_semaphore(%arg22 : memref<!tpu.dma_semaphore, #tpu.memory_space<semaphore_mem>>)
    %dma_start3A_10 = tpu.memref_slice %arg4[%mul3A_2] : memref<16384xi32, #tpu.memory_space<hbm>> -> memref<512xi32, #tpu.memory_space<hbm>>
    %dma_start3A_11 = tpu.memref_slice %arg4[%mul3A_2] : memref<16384xi32, #tpu.memory_space<hbm>> -> memref<512xi32, #tpu.memory_space<hbm>>
    tpu.enqueue_dma source(%dma_start3A_11 : memref<512xi32, #tpu.memory_space<hbm>>) target(%arg11 : memref<512xi32, #tpu.memory_space<vmem>>) target_semaphore(%arg23 : memref<!tpu.dma_semaphore, #tpu.memory_space<semaphore_mem>>)
    %dma_start3A_12 = arith.constant 0 : i32
    %dma_start3A_13 = tpu.memref_slice %arg3[%dma_start3A_12, %mul3A_2] : memref<10x16384xf32, #tpu.memory_space<hbm>> -> memref<10x512xf32, #tpu.memory_space<hbm>>
    %dma_start3A_14 = arith.constant 0 : i32
    %dma_start3A_15 = tpu.memref_slice %arg3[%dma_start3A_14, %mul3A_2] : memref<10x16384xf32, #tpu.memory_space<hbm>> -> memref<10x512xf32, #tpu.memory_space<hbm>>
    tpu.enqueue_dma source(%dma_start3A_15 : memref<10x512xf32, #tpu.memory_space<hbm>>) target(%arg10 : memref<10x512xf32, #tpu.memory_space<vmem>>) target_semaphore(%arg24 : memref<!tpu.dma_semaphore, #tpu.memory_space<semaphore_mem>>)
    %dma_start3A_16 = arith.constant 0 : i32
    %dma_start3A_17 = tpu.memref_slice %arg2[%dma_start3A_16, %mul3A_2] : memref<10x16384xf32, #tpu.memory_space<hbm>> -> memref<10x512xf32, #tpu.memory_space<hbm>>
    %dma_start3A_18 = arith.constant 0 : i32
    %dma_start3A_19 = tpu.memref_slice %arg2[%dma_start3A_18, %mul3A_2] : memref<10x16384xf32, #tpu.memory_space<hbm>> -> memref<10x512xf32, #tpu.memory_space<hbm>>
    tpu.enqueue_dma source(%dma_start3A_19 : memref<10x512xf32, #tpu.memory_space<hbm>>) target(%arg9 : memref<10x512xf32, #tpu.memory_space<vmem>>) target_semaphore(%arg25 : memref<!tpu.dma_semaphore, #tpu.memory_space<semaphore_mem>>)
    %iota3A = tpu.iota {dimensions = array<i32: 0>} : vector<16xi32>
    %broadcast_in_dim3A = arith.constant 0.000000e+00 : f32
    %broadcast_in_dim3A_20 = vector.broadcast %broadcast_in_dim3A : f32 to vector<16xf32>
    %scan3A = arith.constant 0 : i32
    %scan3A_21 = arith.constant 0 : i32
    %scan3A_22 = arith.constant 11 : i32
    %scan3A_23 = arith.addi %scan3A_21, %scan3A_22 : i32
    %scan3A_24 = arith.constant 1 : i32
    scf.for %scan3A_117 = %scan3A_21 to %scan3A_23 step %scan3A_24  : i32 {
      %mul3A_118 = arith.constant 16 : i32
      %mul3A_119 = arith.muli %scan3A_117, %mul3A_118 : i32
      %swap3A_120 = arith.index_cast %mul3A_119 : i32 to index
      %swap3A_121 = tpu.vector_load %arg15[%swap3A_120] {strides = array<i32>} : memref<176xf32, #tpu.memory_space<vmem>>, vector<16xf32>,
      tpu.vector_store %arg15[%swap3A_120], %broadcast_in_dim3A_20 {strides = array<i32>} : memref<176xf32, #tpu.memory_space<vmem>>, vector<16xf32>,
    }
    %scan3A_25 = arith.constant 11 : i32
    %dma_wait3A = arith.constant 0 : i32
    %dma_wait3A_26 = tpu.memref_slice %arg13[%dma_wait3A] : memref<512xi32, #tpu.memory_space<vmem>> -> memref<500xi32, #tpu.memory_space<vmem>>
    %dma_wait3A_27 = arith.constant 0 : i32
    %dma_wait3A_28 = tpu.memref_slice %arg13[%dma_wait3A_27] : memref<512xi32, #tpu.memory_space<vmem>> -> memref<500xi32, #tpu.memory_space<vmem>>
    tpu.wait_dma2 semaphore(%arg20 : memref<!tpu.dma_semaphore, #tpu.memory_space<semaphore_mem>>) src(%arg6 : memref<500xi32, #tpu.memory_space<hbm>>) dst(%dma_wait3A_28 : memref<500xi32, #tpu.memory_space<vmem>>)
    %dma_wait3A_29 = arith.constant 0 : i32
    %dma_wait3A_30 = tpu.memref_slice %arg14[%dma_wait3A_29] : memref<512xi32, #tpu.memory_space<vmem>> -> memref<500xi32, #tpu.memory_space<vmem>>
    %dma_wait3A_31 = arith.constant 0 : i32
    %dma_wait3A_32 = tpu.memref_slice %arg14[%dma_wait3A_31] : memref<512xi32, #tpu.memory_space<vmem>> -> memref<500xi32, #tpu.memory_space<vmem>>
    tpu.wait_dma2 semaphore(%arg21 : memref<!tpu.dma_semaphore, #tpu.memory_space<semaphore_mem>>) src(%arg7 : memref<500xi32, #tpu.memory_space<hbm>>) dst(%dma_wait3A_32 : memref<500xi32, #tpu.memory_space<vmem>>)
    %get3A = arith.constant 496 : index
    %get3A_33 = tpu.vector_load %arg13[%get3A] {strides = array<i32>} : memref<512xi32, #tpu.memory_space<vmem>>, vector<16xi32>,
    %lt3A = arith.constant 4 : i32
    %lt3A_34 = vector.broadcast %lt3A : i32 to vector<16xi32>
    %lt3A_35 = arith.cmpi slt, %iota3A, %lt3A_34 : vector<16xi32>
    %jit3A = arith.constant 10 : i32
    %broadcast_in_dim3A_36 = vector.broadcast %jit3A : i32 to vector<16xi32>
    %select_n3A = arith.select %lt3A_35, %get3A_33, %broadcast_in_dim3A_36 : vector<16xi1>, vector<16xi32>
    %swap3A = arith.constant 496 : index
    %swap3A_37 = tpu.vector_load %arg13[%swap3A] {strides = array<i32>} : memref<512xi32, #tpu.memory_space<vmem>>, vector<16xi32>,
    tpu.vector_store %arg13[%swap3A], %select_n3A {strides = array<i32>} : memref<512xi32, #tpu.memory_space<vmem>>, vector<16xi32>,
    %get3A_38 = arith.constant 496 : index
    %get3A_39 = tpu.vector_load %arg14[%get3A_38] {strides = array<i32>} : memref<512xi32, #tpu.memory_space<vmem>>, vector<16xi32>,
    %lt3A_40 = arith.constant 4 : i32
    %lt3A_41 = vector.broadcast %lt3A_40 : i32 to vector<16xi32>
    %lt3A_42 = arith.cmpi slt, %iota3A, %lt3A_41 : vector<16xi32>
    %jit3A_43 = arith.constant 0 : i32
    %broadcast_in_dim3A_44 = vector.broadcast %jit3A_43 : i32 to vector<16xi32>
    %select_n3A_45 = arith.select %lt3A_42, %get3A_39, %broadcast_in_dim3A_44 : vector<16xi1>, vector<16xi32>
    %swap3A_46 = arith.constant 496 : index
    %swap3A_47 = tpu.vector_load %arg14[%swap3A_46] {strides = array<i32>} : memref<512xi32, #tpu.memory_space<vmem>>, vector<16xi32>,
    tpu.vector_store %arg14[%swap3A_46], %select_n3A_45 {strides = array<i32>} : memref<512xi32, #tpu.memory_space<vmem>>, vector<16xi32>,
    %broadcast_in_dim3A_48 = arith.constant 1.000000e+00 : f32
    %broadcast_in_dim3A_49 = vector.broadcast %broadcast_in_dim3A_48 : f32 to vector<16xf32>
    %scan3A_50 = arith.constant 0 : i32
    %scan3A_51 = arith.constant 0 : i32
    %scan3A_52 = arith.constant 32 : i32
    %scan3A_53 = arith.addi %scan3A_51, %scan3A_52 : i32
    %scan3A_54 = arith.constant 1 : i32
    scf.for %scan3A_117 = %scan3A_51 to %scan3A_53 step %scan3A_54  : i32 {
      %mul3A_118 = arith.constant 16 : i32
      %mul3A_119 = arith.muli %scan3A_117, %mul3A_118 : i32
      %get3A_120 = arith.index_cast %mul3A_119 : i32 to index
      %get3A_121 = tpu.vector_load %arg13[%get3A_120] {strides = array<i32>} : memref<512xi32, #tpu.memory_space<vmem>>, vector<16xi32>,
      %mul3A_122 = arith.constant 16 : i32
      %mul3A_123 = arith.muli %scan3A_117, %mul3A_122 : i32
      %get3A_124 = arith.index_cast %mul3A_123 : i32 to index
      %get3A_125 = tpu.vector_load %arg14[%get3A_124] {strides = array<i32>} : memref<512xi32, #tpu.memory_space<vmem>>, vector<16xi32>,
      %mul3A_126 = arith.constant 16 : i32
      %mul3A_127 = vector.broadcast %mul3A_126 : i32 to vector<16xi32>
      %mul3A_128 = arith.muli %get3A_121, %mul3A_127 : vector<16xi32>
      %add3A_129 = arith.addi %mul3A_128, %get3A_125 : vector<16xi32>
      tpu.vector_store_idx %arg15[%add3A_129], %broadcast_in_dim3A_49 {add = true} : memref<176xf32, #tpu.memory_space<vmem>>[vector<16xi32>], vector<16xf32>,
    }
    %scan3A_55 = arith.constant 32 : i32
    %mul3A_56 = arith.constant 16 : i32
    %mul3A_57 = vector.broadcast %mul3A_56 : i32 to vector<16xi32>
    %mul3A_58 = arith.muli %iota3A, %mul3A_57 : vector<16xi32>
    %scan3A_59 = arith.constant 0 : i32
    %scan3A_60 = arith.constant 10 : i32
    %scan3A_61 = arith.addi %scan3A_59, %scan3A_60 : i32
    %scan3A_62 = arith.constant 1 : i32
    %scan3A_63:2 = scf.for %scan3A_117 = %scan3A_59 to %scan3A_61 step %scan3A_62 iter_args(%scan3A_118 = %broadcast_in_dim3A_20, %scan3A_119 = %broadcast_in_dim3A_20) -> (vector<16xf32>, vector<16xf32>)  : i32 {
      %mul3A_120 = arith.constant 16 : i32
      %mul3A_121 = arith.muli %scan3A_117, %mul3A_120 : i32
      %get3A_122 = arith.index_cast %mul3A_121 : i32 to index
      %get3A_123 = tpu.vector_load %arg15[%get3A_122] {strides = array<i32>} : memref<176xf32, #tpu.memory_space<vmem>>, vector<16xf32>,
      %add3A_124 = arith.addf %scan3A_118, %get3A_123 : vector<16xf32>
      %eq3A_125 = vector.broadcast %scan3A_117 : i32 to vector<16xi32>
      %eq3A_126 = arith.cmpi eq, %iota3A, %eq3A_125 : vector<16xi32>
      %reduce_sum3A_127 = arith.constant true
      %reduce_sum3A_128 = vector.broadcast %reduce_sum3A_127 : i1 to vector<16xi1>
      %reduce_sum3A_129 = tpu.scan <sum>, %get3A_123 masked %reduce_sum3A_128 : vector<16xf32>, vector<16xi1> -> vector<16xf32>
      %reduce_sum3A_130 = vector.extract %reduce_sum3A_129[15] : f32 from vector<16xf32>
      %mul3A_131 = arith.constant 2.000000e-03 : f32
      %mul3A_132 = arith.mulf %reduce_sum3A_130, %mul3A_131 : f32
      %broadcast_in_dim3A_133 = vector.broadcast %mul3A_132 : f32 to vector<16xf32>
      %select_n3A_134 = arith.select %eq3A_126, %broadcast_in_dim3A_133, %scan3A_119 : vector<16xi1>, vector<16xf32>
      scf.yield %add3A_124, %select_n3A_134 : vector<16xf32>, vector<16xf32>
    }
    %scan3A_64 = arith.constant 10 : i32
    %scan3A_65 = arith.constant 0 : i32
    %scan3A_66 = arith.constant 10 : i32
    %scan3A_67 = arith.addi %scan3A_65, %scan3A_66 : i32
    %scan3A_68 = arith.constant 1 : i32
    %scan3A_69 = scf.for %scan3A_117 = %scan3A_65 to %scan3A_67 step %scan3A_68 iter_args(%scan3A_118 = %broadcast_in_dim3A_20) -> (vector<16xf32>)  : i32 {
      %mul3A_119 = arith.constant 16 : i32
      %mul3A_120 = arith.muli %scan3A_117, %mul3A_119 : i32
      %get3A_121 = arith.index_cast %mul3A_120 : i32 to index
      %get3A_122 = tpu.vector_load %arg15[%get3A_121] {strides = array<i32>} : memref<176xf32, #tpu.memory_space<vmem>>, vector<16xf32>,
      %eq3A_123 = arith.constant 10 : i32
      %eq3A_124 = vector.broadcast %eq3A_123 : i32 to vector<16xi32>
      %eq3A_125 = arith.cmpi eq, %iota3A, %eq3A_124 : vector<16xi32>
      %jit3A_126 = arith.constant 0.000000e+00 : f32
      %broadcast_in_dim3A_127 = vector.broadcast %jit3A_126 : f32 to vector<16xf32>
      %select_n3A_128 = arith.select %eq3A_125, %get3A_122, %broadcast_in_dim3A_127 : vector<16xi1>, vector<16xf32>
      %reduce_sum3A_129 = arith.constant true
      %reduce_sum3A_130 = vector.broadcast %reduce_sum3A_129 : i1 to vector<16xi1>
      %reduce_sum3A_131 = tpu.scan <sum>, %select_n3A_128 masked %reduce_sum3A_130 : vector<16xf32>, vector<16xi1> -> vector<16xf32>
      %reduce_sum3A_132 = vector.extract %reduce_sum3A_131[15] : f32 from vector<16xf32>
      %mul3A_133 = vector.broadcast %reduce_sum3A_132 : f32 to vector<16xf32>
      %mul3A_134 = arith.mulf %mul3A_133, %scan3A_63#1 : vector<16xf32>
      %add3A_135 = arith.addf %get3A_122, %mul3A_134 : vector<16xf32>
      %mul3A_136 = arith.constant 16 : i32
      %mul3A_137 = arith.muli %scan3A_117, %mul3A_136 : i32
      %swap3A_138 = arith.index_cast %mul3A_137 : i32 to index
      %swap3A_139 = tpu.vector_load %arg16[%swap3A_138] {strides = array<i32>} : memref<256xf32, #tpu.memory_space<vmem>>, vector<16xf32>,
      tpu.vector_store %arg16[%swap3A_138], %add3A_135 {strides = array<i32>} : memref<256xf32, #tpu.memory_space<vmem>>, vector<16xf32>,
      %add3A_140 = arith.addf %scan3A_118, %add3A_135 : vector<16xf32>
      scf.yield %add3A_140 : vector<16xf32>
    }
    %scan3A_70 = arith.constant 10 : i32
    tpu.wait_dma2 semaphore(%arg22 : memref<!tpu.dma_semaphore, #tpu.memory_space<semaphore_mem>>) src(%arg5 : memref<10x10xf32, #tpu.memory_space<hbm>>) dst(%arg12 : memref<10x10xf32, #tpu.memory_space<vmem>>)
    %lt3A_71 = arith.constant 10 : i32
    %lt3A_72 = vector.broadcast %lt3A_71 : i32 to vector<16xi32>
    %lt3A_73 = arith.cmpi slt, %iota3A, %lt3A_72 : vector<16xi32>
    %broadcast_in_dim3A_74 = arith.constant 0 : i32
    %broadcast_in_dim3A_75 = vector.broadcast %broadcast_in_dim3A_74 : i32 to vector<16xi32>
    %scan3A_76 = arith.constant 0 : i32
    %scan3A_77 = arith.constant 0 : i32
    %scan3A_78 = arith.constant 10 : i32
    %scan3A_79 = arith.addi %scan3A_77, %scan3A_78 : i32
    %scan3A_80 = arith.constant 1 : i32
    scf.for %scan3A_117 = %scan3A_77 to %scan3A_79 step %scan3A_80  : i32 {
      %add3A_118 = vector.broadcast %scan3A_117 : i32 to vector<16xi32>
      %add3A_119 = arith.addi %broadcast_in_dim3A_75, %add3A_118 : vector<16xi32>
      %gather3A = tpu.vector_load_idx %arg12[%add3A_119, %iota3A] masked %lt3A_73 : memref<10x10xf32, #tpu.memory_space<vmem>>[vector<16xi32>, vector<16xi32>], vector<16xf32>, vector<16xi1>
      %add3A_120 = vector.broadcast %scan3A_117 : i32 to vector<16xi32>
      %add3A_121 = arith.addi %mul3A_58, %add3A_120 : vector<16xi32>
      %gather3A_122 = tpu.vector_load_idx %arg16[%add3A_121] : memref<256xf32, #tpu.memory_space<vmem>>[vector<16xi32>], vector<16xf32>,
      %eq3A_123 = vector.broadcast %scan3A_117 : i32 to vector<16xi32>
      %eq3A_124 = arith.cmpi eq, %iota3A, %eq3A_123 : vector<16xi32>
      %jit3A_125 = arith.constant 0.000000e+00 : f32
      %broadcast_in_dim3A_126 = vector.broadcast %jit3A_125 : f32 to vector<16xf32>
      %select_n3A_127 = arith.select %eq3A_124, %scan3A_69, %broadcast_in_dim3A_126 : vector<16xi1>, vector<16xf32>
      %reduce_sum3A_128 = arith.constant true
      %reduce_sum3A_129 = vector.broadcast %reduce_sum3A_128 : i1 to vector<16xi1>
      %reduce_sum3A_130 = tpu.scan <sum>, %select_n3A_127 masked %reduce_sum3A_129 : vector<16xf32>, vector<16xi1> -> vector<16xf32>
      %reduce_sum3A_131 = vector.extract %reduce_sum3A_130[15] : f32 from vector<16xf32>
      %mul3A_132 = vector.broadcast %reduce_sum3A_131 : f32 to vector<16xf32>
      %mul3A_133 = arith.mulf %gather3A, %mul3A_132 : vector<16xf32>
      %div3A_134 = arith.divf %mul3A_133, %gather3A_122 : vector<16xf32>
      %mul3A_135 = arith.constant 16 : i32
      %mul3A_136 = arith.muli %scan3A_117, %mul3A_135 : i32
      %swap3A_137 = arith.index_cast %mul3A_136 : i32 to index
      %swap3A_138 = tpu.vector_load %arg17[%swap3A_137] {strides = array<i32>} : memref<160xf32, #tpu.memory_space<vmem>>, vector<16xf32>,
      tpu.vector_store %arg17[%swap3A_137], %div3A_134 {strides = array<i32>} : memref<160xf32, #tpu.memory_space<vmem>>, vector<16xf32>,
    }
    %scan3A_81 = arith.constant 10 : i32
    %reduce_max3A = arith.constant true
    %reduce_max3A_82 = vector.broadcast %reduce_max3A : i1 to vector<16xi1>
    %reduce_max3A_83 = tpu.scan <max>, %scan3A_63#0 masked %reduce_max3A_82 : vector<16xf32>, vector<16xi1> -> vector<16xf32>
    %reduce_max3A_84 = vector.extract %reduce_max3A_83[15] : f32 from vector<16xf32>
    %mul3A_85 = arith.constant 2.000000e+00 : f32
    %mul3A_86 = arith.mulf %mul3A_85, %reduce_max3A_84 : f32
    %sub3A = vector.broadcast %mul3A_86 : f32 to vector<16xf32>
    %sub3A_87 = arith.subf %sub3A, %scan3A_63#0 : vector<16xf32>
    %div3A = arith.divf %scan3A_63#0, %sub3A_87 : vector<16xf32>
    %swap3A_88 = arith.constant 0 : index
    %swap3A_89 = tpu.vector_load %arg18[%swap3A_88] {strides = array<i32>} : memref<16xf32, #tpu.memory_space<vmem>>, vector<16xf32>,
    tpu.vector_store %arg18[%swap3A_88], %div3A {strides = array<i32>} : memref<16xf32, #tpu.memory_space<vmem>>, vector<16xf32>,
    %dma_wait3A_90 = tpu.memref_slice %arg4[%mul3A_2] : memref<16384xi32, #tpu.memory_space<hbm>> -> memref<512xi32, #tpu.memory_space<hbm>>
    %dma_wait3A_91 = tpu.memref_slice %arg4[%mul3A_2] : memref<16384xi32, #tpu.memory_space<hbm>> -> memref<512xi32, #tpu.memory_space<hbm>>
    tpu.wait_dma2 semaphore(%arg23 : memref<!tpu.dma_semaphore, #tpu.memory_space<semaphore_mem>>) src(%dma_wait3A_91 : memref<512xi32, #tpu.memory_space<hbm>>) dst(%arg11 : memref<512xi32, #tpu.memory_space<vmem>>)
    %dma_wait3A_92 = arith.constant 0 : i32
    %dma_wait3A_93 = tpu.memref_slice %arg3[%dma_wait3A_92, %mul3A_2] : memref<10x16384xf32, #tpu.memory_space<hbm>> -> memref<10x512xf32, #tpu.memory_space<hbm>>
    %dma_wait3A_94 = arith.constant 0 : i32
    %dma_wait3A_95 = tpu.memref_slice %arg3[%dma_wait3A_94, %mul3A_2] : memref<10x16384xf32, #tpu.memory_space<hbm>> -> memref<10x512xf32, #tpu.memory_space<hbm>>
    tpu.wait_dma2 semaphore(%arg24 : memref<!tpu.dma_semaphore, #tpu.memory_space<semaphore_mem>>) src(%dma_wait3A_95 : memref<10x512xf32, #tpu.memory_space<hbm>>) dst(%arg10 : memref<10x512xf32, #tpu.memory_space<vmem>>)
    %dma_wait3A_96 = arith.constant 0 : i32
    %dma_wait3A_97 = tpu.memref_slice %arg2[%dma_wait3A_96, %mul3A_2] : memref<10x16384xf32, #tpu.memory_space<hbm>> -> memref<10x512xf32, #tpu.memory_space<hbm>>
    %dma_wait3A_98 = arith.constant 0 : i32
    %dma_wait3A_99 = tpu.memref_slice %arg2[%dma_wait3A_98, %mul3A_2] : memref<10x16384xf32, #tpu.memory_space<hbm>> -> memref<10x512xf32, #tpu.memory_space<hbm>>
    tpu.wait_dma2 semaphore(%arg25 : memref<!tpu.dma_semaphore, #tpu.memory_space<semaphore_mem>>) src(%dma_wait3A_99 : memref<10x512xf32, #tpu.memory_space<hbm>>) dst(%arg9 : memref<10x512xf32, #tpu.memory_space<vmem>>)
    %scan3A_100 = arith.constant 0 : i32
    %scan3A_101 = arith.constant 32 : i32
    %scan3A_102 = arith.addi %scan3A_100, %scan3A_101 : i32
    %scan3A_103 = arith.constant 1 : i32
    %scan3A_104 = scf.for %scan3A_117 = %scan3A_100 to %scan3A_102 step %scan3A_103 iter_args(%scan3A_118 = %broadcast_in_dim3A_20) -> (vector<16xf32>)  : i32 {
      %mul3A_119 = arith.constant 16 : i32
      %mul3A_120 = arith.muli %scan3A_117, %mul3A_119 : i32
      %add3A_121 = vector.broadcast %mul3A_120 : i32 to vector<16xi32>
      %add3A_122 = arith.addi %add3A_121, %iota3A : vector<16xi32>
      %mul3A_123 = arith.constant 16 : i32
      %mul3A_124 = arith.muli %scan3A_117, %mul3A_123 : i32
      %get3A_125 = arith.index_cast %mul3A_124 : i32 to index
      %get3A_126 = tpu.vector_load %arg11[%get3A_125] {strides = array<i32>} : memref<512xi32, #tpu.memory_space<vmem>>, vector<16xi32>,
      %mul3A_127 = arith.constant 16 : i32
      %mul3A_128 = arith.muli %scan3A_117, %mul3A_127 : i32
      %get3A_129 = arith.constant 0 : i32
      %get3A_130 = arith.index_cast %get3A_129 : i32 to index
      %get3A_131 = arith.index_cast %mul3A_128 : i32 to index
      %get3A_132 = tpu.vector_load %arg10[%get3A_130, %get3A_131] {strides = array<i32>} : memref<10x512xf32, #tpu.memory_space<vmem>>, vector<16xf32>,
      %mul3A_133 = arith.constant 16 : i32
      %mul3A_134 = arith.muli %scan3A_117, %mul3A_133 : i32
      %get3A_135 = arith.constant 1 : i32
      %get3A_136 = arith.index_cast %get3A_135 : i32 to index
      %get3A_137 = arith.index_cast %mul3A_134 : i32 to index
      %get3A_138 = tpu.vector_load %arg10[%get3A_136, %get3A_137] {strides = array<i32>} : memref<10x512xf32, #tpu.memory_space<vmem>>, vector<16xf32>,
      %mul3A_139 = arith.constant 16 : i32
      %mul3A_140 = arith.muli %scan3A_117, %mul3A_139 : i32
      %get3A_141 = arith.constant 2 : i32
      %get3A_142 = arith.index_cast %get3A_141 : i32 to index
      %get3A_143 = arith.index_cast %mul3A_140 : i32 to index
      %get3A_144 = tpu.vector_load %arg10[%get3A_142, %get3A_143] {strides = array<i32>} : memref<10x512xf32, #tpu.memory_space<vmem>>, vector<16xf32>,
      %mul3A_145 = arith.constant 16 : i32
      %mul3A_146 = arith.muli %scan3A_117, %mul3A_145 : i32
      %get3A_147 = arith.constant 3 : i32
      %get3A_148 = arith.index_cast %get3A_147 : i32 to index
      %get3A_149 = arith.index_cast %mul3A_146 : i32 to index
      %get3A_150 = tpu.vector_load %arg10[%get3A_148, %get3A_149] {strides = array<i32>} : memref<10x512xf32, #tpu.memory_space<vmem>>, vector<16xf32>,
      %mul3A_151 = arith.constant 16 : i32
      %mul3A_152 = arith.muli %scan3A_117, %mul3A_151 : i32
      %get3A_153 = arith.constant 4 : i32
      %get3A_154 = arith.index_cast %get3A_153 : i32 to index
      %get3A_155 = arith.index_cast %mul3A_152 : i32 to index
      %get3A_156 = tpu.vector_load %arg10[%get3A_154, %get3A_155] {strides = array<i32>} : memref<10x512xf32, #tpu.memory_space<vmem>>, vector<16xf32>,
      %mul3A_157 = arith.constant 16 : i32
      %mul3A_158 = arith.muli %scan3A_117, %mul3A_157 : i32
      %get3A_159 = arith.constant 5 : i32
      %get3A_160 = arith.index_cast %get3A_159 : i32 to index
      %get3A_161 = arith.index_cast %mul3A_158 : i32 to index
      %get3A_162 = tpu.vector_load %arg10[%get3A_160, %get3A_161] {strides = array<i32>} : memref<10x512xf32, #tpu.memory_space<vmem>>, vector<16xf32>,
      %mul3A_163 = arith.constant 16 : i32
      %mul3A_164 = arith.muli %scan3A_117, %mul3A_163 : i32
      %get3A_165 = arith.constant 6 : i32
      %get3A_166 = arith.index_cast %get3A_165 : i32 to index
      %get3A_167 = arith.index_cast %mul3A_164 : i32 to index
      %get3A_168 = tpu.vector_load %arg10[%get3A_166, %get3A_167] {strides = array<i32>} : memref<10x512xf32, #tpu.memory_space<vmem>>, vector<16xf32>,
      %mul3A_169 = arith.constant 16 : i32
      %mul3A_170 = arith.muli %scan3A_117, %mul3A_169 : i32
      %get3A_171 = arith.constant 7 : i32
      %get3A_172 = arith.index_cast %get3A_171 : i32 to index
      %get3A_173 = arith.index_cast %mul3A_170 : i32 to index
      %get3A_174 = tpu.vector_load %arg10[%get3A_172, %get3A_173] {strides = array<i32>} : memref<10x512xf32, #tpu.memory_space<vmem>>, vector<16xf32>,
      %mul3A_175 = arith.constant 16 : i32
      %mul3A_176 = arith.muli %scan3A_117, %mul3A_175 : i32
      %get3A_177 = arith.constant 8 : i32
      %get3A_178 = arith.index_cast %get3A_177 : i32 to index
      %get3A_179 = arith.index_cast %mul3A_176 : i32 to index
      %get3A_180 = tpu.vector_load %arg10[%get3A_178, %get3A_179] {strides = array<i32>} : memref<10x512xf32, #tpu.memory_space<vmem>>, vector<16xf32>,
      %mul3A_181 = arith.constant 16 : i32
      %mul3A_182 = arith.muli %scan3A_117, %mul3A_181 : i32
      %get3A_183 = arith.constant 9 : i32
      %get3A_184 = arith.index_cast %get3A_183 : i32 to index
      %get3A_185 = arith.index_cast %mul3A_182 : i32 to index
      %get3A_186 = tpu.vector_load %arg10[%get3A_184, %get3A_185] {strides = array<i32>} : memref<10x512xf32, #tpu.memory_space<vmem>>, vector<16xf32>,
      %max3A = arith.maximumf %get3A_132, %get3A_138 : vector<16xf32>
      %max3A_187 = arith.maximumf %max3A, %get3A_144 : vector<16xf32>
      %max3A_188 = arith.maximumf %max3A_187, %get3A_150 : vector<16xf32>
      %max3A_189 = arith.maximumf %max3A_188, %get3A_156 : vector<16xf32>
      %max3A_190 = arith.maximumf %max3A_189, %get3A_162 : vector<16xf32>
      %max3A_191 = arith.maximumf %max3A_190, %get3A_168 : vector<16xf32>
      %max3A_192 = arith.maximumf %max3A_191, %get3A_174 : vector<16xf32>
      %max3A_193 = arith.maximumf %max3A_192, %get3A_180 : vector<16xf32>
      %max3A_194 = arith.maximumf %max3A_193, %get3A_186 : vector<16xf32>
      %sub3A_195 = arith.subf %get3A_132, %max3A_194 : vector<16xf32>
      %mul3A_196 = arith.constant 2.000000e+00 : f32
      %mul3A_197 = vector.broadcast %mul3A_196 : f32 to vector<16xf32>
      %mul3A_198 = arith.mulf %sub3A_195, %mul3A_197 : vector<16xf32>
      %exp3A = math.exp %mul3A_198 : vector<16xf32>
      %add3A_199 = arith.constant 0 : i32
      %add3A_200 = vector.broadcast %add3A_199 : i32 to vector<16xi32>
      %add3A_201 = arith.addi %get3A_126, %add3A_200 : vector<16xi32>
      %gather3A = tpu.vector_load_idx %arg17[%add3A_201] : memref<160xf32, #tpu.memory_space<vmem>>[vector<16xi32>], vector<16xf32>,
      %mul3A_202 = arith.mulf %exp3A, %gather3A : vector<16xf32>
      %broadcast_in_dim3A_203 = arith.constant 0 : i32
      %broadcast_in_dim3A_204 = vector.broadcast %broadcast_in_dim3A_203 : i32 to vector<16xi32>
      %sub3A_205 = arith.subf %get3A_138, %max3A_194 : vector<16xf32>
      %mul3A_206 = arith.constant 2.000000e+00 : f32
      %mul3A_207 = vector.broadcast %mul3A_206 : f32 to vector<16xf32>
      %mul3A_208 = arith.mulf %sub3A_205, %mul3A_207 : vector<16xf32>
      %exp3A_209 = math.exp %mul3A_208 : vector<16xf32>
      %add3A_210 = arith.constant 16 : i32
      %add3A_211 = vector.broadcast %add3A_210 : i32 to vector<16xi32>
      %add3A_212 = arith.addi %get3A_126, %add3A_211 : vector<16xi32>
      %gather3A_213 = tpu.vector_load_idx %arg17[%add3A_212] : memref<160xf32, #tpu.memory_space<vmem>>[vector<16xi32>], vector<16xf32>,
      %mul3A_214 = arith.mulf %exp3A_209, %gather3A_213 : vector<16xf32>
      %gt3A = arith.cmpf ogt, %mul3A_214, %mul3A_202 : vector<16xf32>
      %jit3A_215 = arith.constant 1 : i32
      %broadcast_in_dim3A_216 = vector.broadcast %jit3A_215 : i32 to vector<16xi32>
      %select_n3A_217 = arith.select %gt3A, %broadcast_in_dim3A_216, %broadcast_in_dim3A_204 : vector<16xi1>, vector<16xi32>
      %select_n3A_218 = arith.select %gt3A, %mul3A_214, %mul3A_202 : vector<16xi1>, vector<16xf32>
      %add3A_219 = arith.addf %mul3A_202, %mul3A_214 : vector<16xf32>
      %sub3A_220 = arith.subf %get3A_144, %max3A_194 : vector<16xf32>
      %mul3A_221 = arith.constant 2.000000e+00 : f32
      %mul3A_222 = vector.broadcast %mul3A_221 : f32 to vector<16xf32>
      %mul3A_223 = arith.mulf %sub3A_220, %mul3A_222 : vector<16xf32>
      %exp3A_224 = math.exp %mul3A_223 : vector<16xf32>
      %add3A_225 = arith.constant 32 : i32
      %add3A_226 = vector.broadcast %add3A_225 : i32 to vector<16xi32>
      %add3A_227 = arith.addi %get3A_126, %add3A_226 : vector<16xi32>
      %gather3A_228 = tpu.vector_load_idx %arg17[%add3A_227] : memref<160xf32, #tpu.memory_space<vmem>>[vector<16xi32>], vector<16xf32>,
      %mul3A_229 = arith.mulf %exp3A_224, %gather3A_228 : vector<16xf32>
      %gt3A_230 = arith.cmpf ogt, %mul3A_229, %select_n3A_218 : vector<16xf32>
      %jit3A_231 = arith.constant 2 : i32
      %broadcast_in_dim3A_232 = vector.broadcast %jit3A_231 : i32 to vector<16xi32>
      %select_n3A_233 = arith.select %gt3A_230, %broadcast_in_dim3A_232, %select_n3A_217 : vector<16xi1>, vector<16xi32>
      %select_n3A_234 = arith.select %gt3A_230, %mul3A_229, %select_n3A_218 : vector<16xi1>, vector<16xf32>
      %add3A_235 = arith.addf %add3A_219, %mul3A_229 : vector<16xf32>
      %sub3A_236 = arith.subf %get3A_150, %max3A_194 : vector<16xf32>
      %mul3A_237 = arith.constant 2.000000e+00 : f32
      %mul3A_238 = vector.broadcast %mul3A_237 : f32 to vector<16xf32>
      %mul3A_239 = arith.mulf %sub3A_236, %mul3A_238 : vector<16xf32>
      %exp3A_240 = math.exp %mul3A_239 : vector<16xf32>
      %add3A_241 = arith.constant 48 : i32
      %add3A_242 = vector.broadcast %add3A_241 : i32 to vector<16xi32>
      %add3A_243 = arith.addi %get3A_126, %add3A_242 : vector<16xi32>
      %gather3A_244 = tpu.vector_load_idx %arg17[%add3A_243] : memref<160xf32, #tpu.memory_space<vmem>>[vector<16xi32>], vector<16xf32>,
      %mul3A_245 = arith.mulf %exp3A_240, %gather3A_244 : vector<16xf32>
      %gt3A_246 = arith.cmpf ogt, %mul3A_245, %select_n3A_234 : vector<16xf32>
      %jit3A_247 = arith.constant 3 : i32
      %broadcast_in_dim3A_248 = vector.broadcast %jit3A_247 : i32 to vector<16xi32>
      %select_n3A_249 = arith.select %gt3A_246, %broadcast_in_dim3A_248, %select_n3A_233 : vector<16xi1>, vector<16xi32>
      %select_n3A_250 = arith.select %gt3A_246, %mul3A_245, %select_n3A_234 : vector<16xi1>, vector<16xf32>
      %add3A_251 = arith.addf %add3A_235, %mul3A_245 : vector<16xf32>
      %sub3A_252 = arith.subf %get3A_156, %max3A_194 : vector<16xf32>
      %mul3A_253 = arith.constant 2.000000e+00 : f32
      %mul3A_254 = vector.broadcast %mul3A_253 : f32 to vector<16xf32>
      %mul3A_255 = arith.mulf %sub3A_252, %mul3A_254 : vector<16xf32>
      %exp3A_256 = math.exp %mul3A_255 : vector<16xf32>
      %add3A_257 = arith.constant 64 : i32
      %add3A_258 = vector.broadcast %add3A_257 : i32 to vector<16xi32>
      %add3A_259 = arith.addi %get3A_126, %add3A_258 : vector<16xi32>
      %gather3A_260 = tpu.vector_load_idx %arg17[%add3A_259] : memref<160xf32, #tpu.memory_space<vmem>>[vector<16xi32>], vector<16xf32>,
      %mul3A_261 = arith.mulf %exp3A_256, %gather3A_260 : vector<16xf32>
      %gt3A_262 = arith.cmpf ogt, %mul3A_261, %select_n3A_250 : vector<16xf32>
      %jit3A_263 = arith.constant 4 : i32
      %broadcast_in_dim3A_264 = vector.broadcast %jit3A_263 : i32 to vector<16xi32>
      %select_n3A_265 = arith.select %gt3A_262, %broadcast_in_dim3A_264, %select_n3A_249 : vector<16xi1>, vector<16xi32>
      %select_n3A_266 = arith.select %gt3A_262, %mul3A_261, %select_n3A_250 : vector<16xi1>, vector<16xf32>
      %add3A_267 = arith.addf %add3A_251, %mul3A_261 : vector<16xf32>
      %sub3A_268 = arith.subf %get3A_162, %max3A_194 : vector<16xf32>
      %mul3A_269 = arith.constant 2.000000e+00 : f32
      %mul3A_270 = vector.broadcast %mul3A_269 : f32 to vector<16xf32>
      %mul3A_271 = arith.mulf %sub3A_268, %mul3A_270 : vector<16xf32>
      %exp3A_272 = math.exp %mul3A_271 : vector<16xf32>
      %add3A_273 = arith.constant 80 : i32
      %add3A_274 = vector.broadcast %add3A_273 : i32 to vector<16xi32>
      %add3A_275 = arith.addi %get3A_126, %add3A_274 : vector<16xi32>
      %gather3A_276 = tpu.vector_load_idx %arg17[%add3A_275] : memref<160xf32, #tpu.memory_space<vmem>>[vector<16xi32>], vector<16xf32>,
      %mul3A_277 = arith.mulf %exp3A_272, %gather3A_276 : vector<16xf32>
      %gt3A_278 = arith.cmpf ogt, %mul3A_277, %select_n3A_266 : vector<16xf32>
      %jit3A_279 = arith.constant 5 : i32
      %broadcast_in_dim3A_280 = vector.broadcast %jit3A_279 : i32 to vector<16xi32>
      %select_n3A_281 = arith.select %gt3A_278, %broadcast_in_dim3A_280, %select_n3A_265 : vector<16xi1>, vector<16xi32>
      %select_n3A_282 = arith.select %gt3A_278, %mul3A_277, %select_n3A_266 : vector<16xi1>, vector<16xf32>
      %add3A_283 = arith.addf %add3A_267, %mul3A_277 : vector<16xf32>
      %sub3A_284 = arith.subf %get3A_168, %max3A_194 : vector<16xf32>
      %mul3A_285 = arith.constant 2.000000e+00 : f32
      %mul3A_286 = vector.broadcast %mul3A_285 : f32 to vector<16xf32>
      %mul3A_287 = arith.mulf %sub3A_284, %mul3A_286 : vector<16xf32>
      %exp3A_288 = math.exp %mul3A_287 : vector<16xf32>
      %add3A_289 = arith.constant 96 : i32
      %add3A_290 = vector.broadcast %add3A_289 : i32 to vector<16xi32>
      %add3A_291 = arith.addi %get3A_126, %add3A_290 : vector<16xi32>
      %gather3A_292 = tpu.vector_load_idx %arg17[%add3A_291] : memref<160xf32, #tpu.memory_space<vmem>>[vector<16xi32>], vector<16xf32>,
      %mul3A_293 = arith.mulf %exp3A_288, %gather3A_292 : vector<16xf32>
      %gt3A_294 = arith.cmpf ogt, %mul3A_293, %select_n3A_282 : vector<16xf32>
      %jit3A_295 = arith.constant 6 : i32
      %broadcast_in_dim3A_296 = vector.broadcast %jit3A_295 : i32 to vector<16xi32>
      %select_n3A_297 = arith.select %gt3A_294, %broadcast_in_dim3A_296, %select_n3A_281 : vector<16xi1>, vector<16xi32>
      %select_n3A_298 = arith.select %gt3A_294, %mul3A_293, %select_n3A_282 : vector<16xi1>, vector<16xf32>
      %add3A_299 = arith.addf %add3A_283, %mul3A_293 : vector<16xf32>
      %sub3A_300 = arith.subf %get3A_174, %max3A_194 : vector<16xf32>
      %mul3A_301 = arith.constant 2.000000e+00 : f32
      %mul3A_302 = vector.broadcast %mul3A_301 : f32 to vector<16xf32>
      %mul3A_303 = arith.mulf %sub3A_300, %mul3A_302 : vector<16xf32>
      %exp3A_304 = math.exp %mul3A_303 : vector<16xf32>
      %add3A_305 = arith.constant 112 : i32
      %add3A_306 = vector.broadcast %add3A_305 : i32 to vector<16xi32>
      %add3A_307 = arith.addi %get3A_126, %add3A_306 : vector<16xi32>
      %gather3A_308 = tpu.vector_load_idx %arg17[%add3A_307] : memref<160xf32, #tpu.memory_space<vmem>>[vector<16xi32>], vector<16xf32>,
      %mul3A_309 = arith.mulf %exp3A_304, %gather3A_308 : vector<16xf32>
      %gt3A_310 = arith.cmpf ogt, %mul3A_309, %select_n3A_298 : vector<16xf32>
      %jit3A_311 = arith.constant 7 : i32
      %broadcast_in_dim3A_312 = vector.broadcast %jit3A_311 : i32 to vector<16xi32>
      %select_n3A_313 = arith.select %gt3A_310, %broadcast_in_dim3A_312, %select_n3A_297 : vector<16xi1>, vector<16xi32>
      %select_n3A_314 = arith.select %gt3A_310, %mul3A_309, %select_n3A_298 : vector<16xi1>, vector<16xf32>
      %add3A_315 = arith.addf %add3A_299, %mul3A_309 : vector<16xf32>
      %sub3A_316 = arith.subf %get3A_180, %max3A_194 : vector<16xf32>
      %mul3A_317 = arith.constant 2.000000e+00 : f32
      %mul3A_318 = vector.broadcast %mul3A_317 : f32 to vector<16xf32>
      %mul3A_319 = arith.mulf %sub3A_316, %mul3A_318 : vector<16xf32>
      %exp3A_320 = math.exp %mul3A_319 : vector<16xf32>
      %add3A_321 = arith.constant 128 : i32
      %add3A_322 = vector.broadcast %add3A_321 : i32 to vector<16xi32>
      %add3A_323 = arith.addi %get3A_126, %add3A_322 : vector<16xi32>
      %gather3A_324 = tpu.vector_load_idx %arg17[%add3A_323] : memref<160xf32, #tpu.memory_space<vmem>>[vector<16xi32>], vector<16xf32>,
      %mul3A_325 = arith.mulf %exp3A_320, %gather3A_324 : vector<16xf32>
      %gt3A_326 = arith.cmpf ogt, %mul3A_325, %select_n3A_314 : vector<16xf32>
      %jit3A_327 = arith.constant 8 : i32
      %broadcast_in_dim3A_328 = vector.broadcast %jit3A_327 : i32 to vector<16xi32>
      %select_n3A_329 = arith.select %gt3A_326, %broadcast_in_dim3A_328, %select_n3A_313 : vector<16xi1>, vector<16xi32>
      %select_n3A_330 = arith.select %gt3A_326, %mul3A_325, %select_n3A_314 : vector<16xi1>, vector<16xf32>
      %add3A_331 = arith.addf %add3A_315, %mul3A_325 : vector<16xf32>
      %sub3A_332 = arith.subf %get3A_186, %max3A_194 : vector<16xf32>
      %mul3A_333 = arith.constant 2.000000e+00 : f32
      %mul3A_334 = vector.broadcast %mul3A_333 : f32 to vector<16xf32>
      %mul3A_335 = arith.mulf %sub3A_332, %mul3A_334 : vector<16xf32>
      %exp3A_336 = math.exp %mul3A_335 : vector<16xf32>
      %add3A_337 = arith.constant 144 : i32
      %add3A_338 = vector.broadcast %add3A_337 : i32 to vector<16xi32>
      %add3A_339 = arith.addi %get3A_126, %add3A_338 : vector<16xi32>
      %gather3A_340 = tpu.vector_load_idx %arg17[%add3A_339] : memref<160xf32, #tpu.memory_space<vmem>>[vector<16xi32>], vector<16xf32>,
      %mul3A_341 = arith.mulf %exp3A_336, %gather3A_340 : vector<16xf32>
      %gt3A_342 = arith.cmpf ogt, %mul3A_341, %select_n3A_330 : vector<16xf32>
      %jit3A_343 = arith.constant 9 : i32
      %broadcast_in_dim3A_344 = vector.broadcast %jit3A_343 : i32 to vector<16xi32>
      %select_n3A_345 = arith.select %gt3A_342, %broadcast_in_dim3A_344, %select_n3A_329 : vector<16xi1>, vector<16xi32>
      %select_n3A_346 = arith.select %gt3A_342, %mul3A_341, %select_n3A_330 : vector<16xi1>, vector<16xf32>
      %add3A_347 = arith.addf %add3A_331, %mul3A_341 : vector<16xf32>
      %div3A_348 = arith.divf %select_n3A_346, %add3A_347 : vector<16xf32>
      %gather3A_349 = tpu.vector_load_idx %arg18[%select_n3A_345] : memref<16xf32, #tpu.memory_space<vmem>>[vector<16xi32>], vector<16xf32>,
      %mul3A_350 = arith.constant 0.949999988 : f32
      %mul3A_351 = vector.broadcast %mul3A_350 : f32 to vector<16xf32>
      %mul3A_352 = arith.mulf %mul3A_351, %gather3A_349 : vector<16xf32>
      %gt3A_353 = arith.cmpf ogt, %div3A_348, %mul3A_352 : vector<16xf32>
      %mul3A_354 = arith.constant 16 : i32
      %mul3A_355 = arith.muli %scan3A_117, %mul3A_354 : i32
      %get3A_356 = arith.constant 0 : i32
      %get3A_357 = arith.index_cast %get3A_356 : i32 to index
      %get3A_358 = arith.index_cast %mul3A_355 : i32 to index
      %get3A_359 = tpu.vector_load %arg9[%get3A_357, %get3A_358] {strides = array<i32>} : memref<10x512xf32, #tpu.memory_space<vmem>>, vector<16xf32>,
      %mul3A_360 = arith.constant 16 : i32
      %mul3A_361 = arith.muli %scan3A_117, %mul3A_360 : i32
      %get3A_362 = arith.constant 1 : i32
      %get3A_363 = arith.index_cast %get3A_362 : i32 to index
      %get3A_364 = arith.index_cast %mul3A_361 : i32 to index
      %get3A_365 = tpu.vector_load %arg9[%get3A_363, %get3A_364] {strides = array<i32>} : memref<10x512xf32, #tpu.memory_space<vmem>>, vector<16xf32>,
      %mul3A_366 = arith.constant 16 : i32
      %mul3A_367 = arith.muli %scan3A_117, %mul3A_366 : i32
      %get3A_368 = arith.constant 2 : i32
      %get3A_369 = arith.index_cast %get3A_368 : i32 to index
      %get3A_370 = arith.index_cast %mul3A_367 : i32 to index
      %get3A_371 = tpu.vector_load %arg9[%get3A_369, %get3A_370] {strides = array<i32>} : memref<10x512xf32, #tpu.memory_space<vmem>>, vector<16xf32>,
      %mul3A_372 = arith.constant 16 : i32
      %mul3A_373 = arith.muli %scan3A_117, %mul3A_372 : i32
      %get3A_374 = arith.constant 3 : i32
      %get3A_375 = arith.index_cast %get3A_374 : i32 to index
      %get3A_376 = arith.index_cast %mul3A_373 : i32 to index
      %get3A_377 = tpu.vector_load %arg9[%get3A_375, %get3A_376] {strides = array<i32>} : memref<10x512xf32, #tpu.memory_space<vmem>>, vector<16xf32>,
      %mul3A_378 = arith.constant 16 : i32
      %mul3A_379 = arith.muli %scan3A_117, %mul3A_378 : i32
      %get3A_380 = arith.constant 4 : i32
      %get3A_381 = arith.index_cast %get3A_380 : i32 to index
      %get3A_382 = arith.index_cast %mul3A_379 : i32 to index
      %get3A_383 = tpu.vector_load %arg9[%get3A_381, %get3A_382] {strides = array<i32>} : memref<10x512xf32, #tpu.memory_space<vmem>>, vector<16xf32>,
      %mul3A_384 = arith.constant 16 : i32
      %mul3A_385 = arith.muli %scan3A_117, %mul3A_384 : i32
      %get3A_386 = arith.constant 5 : i32
      %get3A_387 = arith.index_cast %get3A_386 : i32 to index
      %get3A_388 = arith.index_cast %mul3A_385 : i32 to index
      %get3A_389 = tpu.vector_load %arg9[%get3A_387, %get3A_388] {strides = array<i32>} : memref<10x512xf32, #tpu.memory_space<vmem>>, vector<16xf32>,
      %mul3A_390 = arith.constant 16 : i32
      %mul3A_391 = arith.muli %scan3A_117, %mul3A_390 : i32
      %get3A_392 = arith.constant 6 : i32
      %get3A_393 = arith.index_cast %get3A_392 : i32 to index
      %get3A_394 = arith.index_cast %mul3A_391 : i32 to index
      %get3A_395 = tpu.vector_load %arg9[%get3A_393, %get3A_394] {strides = array<i32>} : memref<10x512xf32, #tpu.memory_space<vmem>>, vector<16xf32>,
      %mul3A_396 = arith.constant 16 : i32
      %mul3A_397 = arith.muli %scan3A_117, %mul3A_396 : i32
      %get3A_398 = arith.constant 7 : i32
      %get3A_399 = arith.index_cast %get3A_398 : i32 to index
      %get3A_400 = arith.index_cast %mul3A_397 : i32 to index
      %get3A_401 = tpu.vector_load %arg9[%get3A_399, %get3A_400] {strides = array<i32>} : memref<10x512xf32, #tpu.memory_space<vmem>>, vector<16xf32>,
      %mul3A_402 = arith.constant 16 : i32
      %mul3A_403 = arith.muli %scan3A_117, %mul3A_402 : i32
      %get3A_404 = arith.constant 8 : i32
      %get3A_405 = arith.index_cast %get3A_404 : i32 to index
      %get3A_406 = arith.index_cast %mul3A_403 : i32 to index
      %get3A_407 = tpu.vector_load %arg9[%get3A_405, %get3A_406] {strides = array<i32>} : memref<10x512xf32, #tpu.memory_space<vmem>>, vector<16xf32>,
      %mul3A_408 = arith.constant 16 : i32
      %mul3A_409 = arith.muli %scan3A_117, %mul3A_408 : i32
      %get3A_410 = arith.constant 9 : i32
      %get3A_411 = arith.index_cast %get3A_410 : i32 to index
      %get3A_412 = arith.index_cast %mul3A_409 : i32 to index
      %get3A_413 = tpu.vector_load %arg9[%get3A_411, %get3A_412] {strides = array<i32>} : memref<10x512xf32, #tpu.memory_space<vmem>>, vector<16xf32>,
      %max3A_414 = arith.maximumf %get3A_359, %get3A_365 : vector<16xf32>
      %max3A_415 = arith.maximumf %max3A_414, %get3A_371 : vector<16xf32>
      %max3A_416 = arith.maximumf %max3A_415, %get3A_377 : vector<16xf32>
      %max3A_417 = arith.maximumf %max3A_416, %get3A_383 : vector<16xf32>
      %max3A_418 = arith.maximumf %max3A_417, %get3A_389 : vector<16xf32>
      %max3A_419 = arith.maximumf %max3A_418, %get3A_395 : vector<16xf32>
      %max3A_420 = arith.maximumf %max3A_419, %get3A_401 : vector<16xf32>
      %max3A_421 = arith.maximumf %max3A_420, %get3A_407 : vector<16xf32>
      %max3A_422 = arith.maximumf %max3A_421, %get3A_413 : vector<16xf32>
      %sub3A_423 = arith.subf %get3A_359, %max3A_422 : vector<16xf32>
      %exp3A_424 = math.exp %sub3A_423 : vector<16xf32>
      %sub3A_425 = arith.subf %get3A_365, %max3A_422 : vector<16xf32>
      %exp3A_426 = math.exp %sub3A_425 : vector<16xf32>
      %add3A_427 = arith.addf %exp3A_424, %exp3A_426 : vector<16xf32>
      %sub3A_428 = arith.subf %get3A_371, %max3A_422 : vector<16xf32>
      %exp3A_429 = math.exp %sub3A_428 : vector<16xf32>
      %add3A_430 = arith.addf %add3A_427, %exp3A_429 : vector<16xf32>
      %sub3A_431 = arith.subf %get3A_377, %max3A_422 : vector<16xf32>
      %exp3A_432 = math.exp %sub3A_431 : vector<16xf32>
      %add3A_433 = arith.addf %add3A_430, %exp3A_432 : vector<16xf32>
      %sub3A_434 = arith.subf %get3A_383, %max3A_422 : vector<16xf32>
      %exp3A_435 = math.exp %sub3A_434 : vector<16xf32>
      %add3A_436 = arith.addf %add3A_433, %exp3A_435 : vector<16xf32>
      %sub3A_437 = arith.subf %get3A_389, %max3A_422 : vector<16xf32>
      %exp3A_438 = math.exp %sub3A_437 : vector<16xf32>
      %add3A_439 = arith.addf %add3A_436, %exp3A_438 : vector<16xf32>
      %sub3A_440 = arith.subf %get3A_395, %max3A_422 : vector<16xf32>
      %exp3A_441 = math.exp %sub3A_440 : vector<16xf32>
      %add3A_442 = arith.addf %add3A_439, %exp3A_441 : vector<16xf32>
      %sub3A_443 = arith.subf %get3A_401, %max3A_422 : vector<16xf32>
      %exp3A_444 = math.exp %sub3A_443 : vector<16xf32>
      %add3A_445 = arith.addf %add3A_442, %exp3A_444 : vector<16xf32>
      %sub3A_446 = arith.subf %get3A_407, %max3A_422 : vector<16xf32>
      %exp3A_447 = math.exp %sub3A_446 : vector<16xf32>
      %add3A_448 = arith.addf %add3A_445, %exp3A_447 : vector<16xf32>
      %sub3A_449 = arith.subf %get3A_413, %max3A_422 : vector<16xf32>
      %exp3A_450 = math.exp %sub3A_449 : vector<16xf32>
      %add3A_451 = arith.addf %add3A_448, %exp3A_450 : vector<16xf32>
      %gather3A_452 = tpu.vector_load_idx %arg9[%select_n3A_345, %add3A_122] : memref<10x512xf32, #tpu.memory_space<vmem>>[vector<16xi32>, vector<16xi32>], vector<16xf32>,
      %bitcast_convert_type3A = tpu.bitcast %add3A_451 : vector<16xf32> -> vector<16xi32>
      %shift_right_logical3A = arith.constant 23 : i32
      %shift_right_logical3A_453 = vector.broadcast %shift_right_logical3A : i32 to vector<16xi32>
      %shift_right_logical3A_454 = arith.shrui %bitcast_convert_type3A, %shift_right_logical3A_453 : vector<16xi32>
      %sub3A_455 = arith.constant 127 : i32
      %sub3A_456 = vector.broadcast %sub3A_455 : i32 to vector<16xi32>
      %sub3A_457 = arith.subi %shift_right_logical3A_454, %sub3A_456 : vector<16xi32>
      %and3A = arith.constant 8388607 : i32
      %and3A_458 = vector.broadcast %and3A : i32 to vector<16xi32>
      %and3A_459 = arith.andi %bitcast_convert_type3A, %and3A_458 : vector<16xi32>
      %or3A = arith.constant 1065353216 : i32
      %or3A_460 = vector.broadcast %or3A : i32 to vector<16xi32>
      %or3A_461 = arith.ori %and3A_459, %or3A_460 : vector<16xi32>
      %bitcast_convert_type3A_462 = tpu.bitcast %or3A_461 : vector<16xi32> -> vector<16xf32>
      %sub3A_463 = arith.constant 1.000000e+00 : f32
      %sub3A_464 = vector.broadcast %sub3A_463 : f32 to vector<16xf32>
      %sub3A_465 = arith.subf %bitcast_convert_type3A_462, %sub3A_464 : vector<16xf32>
      %add3A_466 = arith.constant 1.000000e+00 : f32
      %add3A_467 = vector.broadcast %add3A_466 : f32 to vector<16xf32>
      %add3A_468 = arith.addf %bitcast_convert_type3A_462, %add3A_467 : vector<16xf32>
      %div3A_469 = arith.divf %sub3A_465, %add3A_468 : vector<16xf32>
      %mul3A_470 = arith.mulf %div3A_469, %div3A_469 : vector<16xf32>
      %mul3A_471 = arith.constant 0.222222224 : f32
      %mul3A_472 = vector.broadcast %mul3A_471 : f32 to vector<16xf32>
      %mul3A_473 = arith.mulf %mul3A_470, %mul3A_472 : vector<16xf32>
      %add3A_474 = arith.constant 0.285714298 : f32
      %add3A_475 = vector.broadcast %add3A_474 : f32 to vector<16xf32>
      %add3A_476 = arith.addf %add3A_475, %mul3A_473 : vector<16xf32>
      %mul3A_477 = arith.mulf %mul3A_470, %add3A_476 : vector<16xf32>
      %add3A_478 = arith.constant 4.000000e-01 : f32
      %add3A_479 = vector.broadcast %add3A_478 : f32 to vector<16xf32>
      %add3A_480 = arith.addf %add3A_479, %mul3A_477 : vector<16xf32>
      %mul3A_481 = arith.mulf %mul3A_470, %add3A_480 : vector<16xf32>
      %add3A_482 = arith.constant 0.666666686 : f32
      %add3A_483 = vector.broadcast %add3A_482 : f32 to vector<16xf32>
      %add3A_484 = arith.addf %add3A_483, %mul3A_481 : vector<16xf32>
      %mul3A_485 = arith.mulf %mul3A_470, %add3A_484 : vector<16xf32>
      %add3A_486 = arith.constant 2.000000e+00 : f32
      %add3A_487 = vector.broadcast %add3A_486 : f32 to vector<16xf32>
      %add3A_488 = arith.addf %add3A_487, %mul3A_485 : vector<16xf32>
      %mul3A_489 = arith.mulf %div3A_469, %add3A_488 : vector<16xf32>
      %convert_element_type3A = arith.sitofp %sub3A_457 : vector<16xi32> to vector<16xf32>
      %mul3A_490 = arith.constant 0.693147182 : f32
      %mul3A_491 = vector.broadcast %mul3A_490 : f32 to vector<16xf32>
      %mul3A_492 = arith.mulf %convert_element_type3A, %mul3A_491 : vector<16xf32>
      %add3A_493 = arith.addf %mul3A_492, %mul3A_489 : vector<16xf32>
      %add3A_494 = arith.addf %max3A_422, %add3A_493 : vector<16xf32>
      %sub3A_495 = arith.subf %add3A_494, %gather3A_452 : vector<16xf32>
      %jit3A_496 = arith.constant 0.000000e+00 : f32
      %broadcast_in_dim3A_497 = vector.broadcast %jit3A_496 : f32 to vector<16xf32>
      %select_n3A_498 = arith.select %gt3A_353, %sub3A_495, %broadcast_in_dim3A_497 : vector<16xi1>, vector<16xf32>
      %add3A_499 = arith.addf %scan3A_118, %select_n3A_498 : vector<16xf32>
      scf.yield %add3A_499 : vector<16xf32>
    }
    %scan3A_105 = arith.constant 32 : i32
    %reduce_sum3A = arith.constant true
    %reduce_sum3A_106 = vector.broadcast %reduce_sum3A : i1 to vector<16xi1>
    %reduce_sum3A_107 = tpu.scan <sum>, %scan3A_104 masked %reduce_sum3A_106 : vector<16xf32>, vector<16xi1> -> vector<16xf32>
    %reduce_sum3A_108 = vector.extract %reduce_sum3A_107[15] : f32 from vector<16xf32>
    %eq3A = arith.constant 0 : i32
    %eq3A_109 = vector.broadcast %eq3A : i32 to vector<16xi32>
    %eq3A_110 = arith.cmpi eq, %iota3A, %eq3A_109 : vector<16xi32>
    %jit3A_111 = arith.constant 0.000000e+00 : f32
    %broadcast_in_dim3A_112 = vector.broadcast %reduce_sum3A_108 : f32 to vector<16xf32>
    %broadcast_in_dim3A_113 = vector.broadcast %jit3A_111 : f32 to vector<16xf32>
    %select_n3A_114 = arith.select %eq3A_110, %broadcast_in_dim3A_112, %broadcast_in_dim3A_113 : vector<16xi1>, vector<16xf32>
    %swap3A_115 = arith.constant 0 : index
    %swap3A_116 = tpu.vector_load %arg19[%swap3A_115] {strides = array<i32>} : memref<16xf32, #tpu.memory_space<vmem>>, vector<16xf32>,
    tpu.vector_store %arg19[%swap3A_115], %select_n3A_114 {strides = array<i32>} : memref<16xf32, #tpu.memory_space<vmem>>, vector<16xf32>,
    "tpu.region"() ({
      %run_scoped3A = tpu.sem_alloc : memref<!tpu.dma_semaphore, #tpu.memory_space<semaphore_mem>>
      %dma_start3A_117 = arith.constant 0 : i32
      %dma_start3A_118 = tpu.memref_slice %arg8[%add3A, %dma_start3A_117] : memref<32x16xf32, #tpu.memory_space<hbm>> -> memref<1x16xf32, #tpu.memory_space<hbm>>
      %dma_start3A_119 = tpu.memref_squeeze %dma_start3A_118 : memref<1x16xf32, #tpu.memory_space<hbm>> -> memref<16xf32, #tpu.memory_space<hbm>>
      %dma_start3A_120 = arith.constant 0 : i32
      %dma_start3A_121 = tpu.memref_slice %arg8[%add3A, %dma_start3A_120] : memref<32x16xf32, #tpu.memory_space<hbm>> -> memref<1x16xf32, #tpu.memory_space<hbm>>
      %dma_start3A_122 = tpu.memref_squeeze %dma_start3A_121 : memref<1x16xf32, #tpu.memory_space<hbm>> -> memref<16xf32, #tpu.memory_space<hbm>>
      tpu.enqueue_dma source(%arg19 : memref<16xf32, #tpu.memory_space<vmem>>) target(%dma_start3A_122 : memref<16xf32, #tpu.memory_space<hbm>>) target_semaphore(%run_scoped3A : memref<!tpu.dma_semaphore, #tpu.memory_space<semaphore_mem>>)
      %dma_wait3A_123 = arith.constant 0 : i32
      %dma_wait3A_124 = tpu.memref_slice %arg8[%add3A, %dma_wait3A_123] : memref<32x16xf32, #tpu.memory_space<hbm>> -> memref<1x16xf32, #tpu.memory_space<hbm>>
      %dma_wait3A_125 = tpu.memref_squeeze %dma_wait3A_124 : memref<1x16xf32, #tpu.memory_space<hbm>> -> memref<16xf32, #tpu.memory_space<hbm>>
      %dma_wait3A_126 = arith.constant 0 : i32
      %dma_wait3A_127 = tpu.memref_slice %arg8[%add3A, %dma_wait3A_126] : memref<32x16xf32, #tpu.memory_space<hbm>> -> memref<1x16xf32, #tpu.memory_space<hbm>>
      %dma_wait3A_128 = tpu.memref_squeeze %dma_wait3A_127 : memref<1x16xf32, #tpu.memory_space<hbm>> -> memref<16xf32, #tpu.memory_space<hbm>>
      tpu.wait_dma2 semaphore(%run_scoped3A : memref<!tpu.dma_semaphore, #tpu.memory_space<semaphore_mem>>) src(%arg19 : memref<16xf32, #tpu.memory_space<vmem>>) dst(%dma_wait3A_128 : memref<16xf32, #tpu.memory_space<hbm>>)
      tpu.yield
    }) : () -> ()
    return
  }
}

</mosaic_0001>

<sc_bundles>
// kernel: kernel.3.cloned.1.call-start
scs
__scs_entry_jumppad:
0x0: {  	(pc) =	sbr.rel $0x88, $3  }
0x1: {  	(tag) =	ssettag $0x0;
	lr =	simm.s32 $0x1  }
0x2: {  	[smem:$0x3F9B] =	sst lr;
	_ =	strace $0xD0000000  }
0x3: {  	_ = 	snop  }
0x4: {  	_ = 	snop  }
0x5: {  	_ = 	snop  }
0x6: {  	_ = 	snop  }
0x7: {  	_ = 	snop  }
__scs_overlays_trampoline_lowered:
0x8: {  	[smem:$0x3FAA] =	sst s0  }
0x9: {  	[smem:$0x3FAB] =	sst s1  }
0xa: {  	[smem:$0x3FAC] =	sst s2  }
0xb: {  	[smem:$0x3FAD] =	sst s3  }
0xc: {  	[smem:$0x3FAE] =	sst s4  }
0xd: {  	[smem:$0x3FAF] =	sst s5  }
0xe: {  	[smem:$0x3FB0] =	sst s6  }
0xf: {  	[smem:$0x3FB1] =	sst s7  }
0x10: {  	[smem:$0x3FB2] =	sst s8  }
0x11: {  	[smem:$0x3FB3] =	sst s9;
	s0 =	simm.s32 @!p0 $0x0  }
0x12: {  	s1 =	sld [smem:$0x3F99];
	s0 =	simm.s32 @p0 $0x1  }
0x13: {  	[smem:$0x3FB4] =	sst s0;
	s0 =	simm.s32 @!p1 $0x0  }
0x14: {  	s2 =	sld [smem:$0x3F98];
	s0 =	simm.s32 @p1 $0x1  }
0x15: {  	[smem:$0x3FB5] =	sst s0;
	s0 =	simm.s32 @!p2 $0x0  }
0x16: {  	s3 =	sld [smem:$0x3FDB];
	s0 =	simm.s32 @p2 $0x1  }
0x17: {  	s4 =	simm.s32 $0x1BF5;
	[smem:$0x3FB7] =	sst s0  }
0x18: {  	s0 =	sld [smem:$0x3F9A];
	_ =	swait.ge [sflag:s4], $0x0  }
0x19: {  	s7 =	sld [smem:$0x3F9B]  }
0x1a: {  	s8 =	sadd.s32 $0xFFFFE003, lr  }
0x1b: {  	s9 =	sadd.s32 $0xFFFFFEF7, lr;
	s5 =	simm.s32 $0xFFFFFFFF;
	p2 =	slt.u32 s8, $0xFFFFF086  }
0x1c: {  	p1 =	slt.u32 s9, $0xF7A;
	s5 =	simm.s32 @!p2 $0x0  }
0x1d: {  	s5 =	simm.s32 @p1 $0x1;
	p0 =	seq.s32 s7, s2  }
0x1e: {  	s7 =	smul.u32 @!p0 $0xF7A, s2;
	p2 =	seq.s32 @!p0 s5, $0x0  }
0x1f: {  	s9 =	smul.u32 $0xF7A, s1;
	s8 =	simm.s32 @!p0 $0x1BF5;
	p2 =	por !p2, p0  }
0x20: {  	[sflag:s8] =	ssyncset.s32 @!p0 $0xFFFFF086;
	s6 =	sadd.s32 @!p0 s3, s7;
	s7 =	simm.s32 @!p0 $0x108  }
0x21: {  	s3 =	sadd.s32 s3, s9;
	s6 =	sadd.s32 @!p0 $0x88, s6;
	s7 =	simm.s32 @p2 $0x1082  }
0x22: {  	[simem:s7], [sflag:s8] =	dma.local @!p0 [hbm:s6], $0xF7A  }
0x23: {  	s9 =	sor.u32 $0xD0000000, s2;
	s6 =	simm.s32 $0x108;
	_ =	swait.ge @!p0 [sflag:s8], $0x0  }
0x24: {  	s3 =	sadd.s32 $0x88, s3;
	s6 =	simm.s32 @!p1 $0x1082;
	[sflag:s4] =	ssyncset.s32 $0xFFFFF086  }
0x25: {  	[simem:s6], [sflag:s4] =	dma.local [hbm:s3], $0xF7A  }
0x26: {  	[smem:$0x3F9B] =	sst s1;
	(tag) =	ssettag s2;
	_ =	strace s9  }
0x27: {  	s1 =	sld [smem:$0x3FAB]  }
0x28: {  	s2 =	sld [smem:$0x3FAC]  }
0x29: {  	s4 =	sld [smem:$0x3FAE]  }
0x2a: {  	p0 =	seq.s32 s5, $0x0;
	s5 =	sld [smem:$0x3FAF]  }
0x2b: {  	s6 =	sld [smem:$0x3FB0]  }
0x2c: {  	s7 =	sld [smem:$0x3FB1]  }
0x2d: {  	s3 =	simm.s32 $0x108;
	s8 =	sld [smem:$0x3FB2]  }
0x2e: {  	s3 =	simm.s32 @!p0 $0x1082;
	s9 =	sld [smem:$0x3FB3]  }
0x2f: {  	lr =	sadd.s32 s0, s3;
	s0 =	sld [smem:$0x3FAA]  }
0x30: {  	s3 =	sld [smem:$0x3FAD]  }
0x31: {  	[smem:$0x3FB6] =	sst s10  }
0x32: {  	s10 =	sld [smem:$0x3FB4];
	_ =	sdelay $0x3  }
0x33: {  	p0 =	seq.s32 s10, $0x1;
	s10 =	sld [smem:$0x3FB6];
	_ =	sdelay $0x3  }
0x34: {  	[smem:$0x3FB6] =	sst s10  }
0x35: {  	s10 =	sld [smem:$0x3FB5];
	_ =	sdelay $0x3  }
0x36: {  	p1 =	seq.s32 s10, $0x1;
	s10 =	sld [smem:$0x3FB6];
	_ =	sdelay $0x3  }
0x37: {  	[smem:$0x3FB6] =	sst s10  }
0x38: {  	s10 =	sld [smem:$0x3FB7]  }
0x39: {  	_ = 	snop;
	(pc) =	sbr.ind lr, $3  }
0x3a: {  	_ = 	snop  }
0x3b: {  	_ = 	snop  }
0x3c: {  	p2 =	seq.s32 s10, $0x1;
	s10 =	sld [smem:$0x3FB6]  }
0x3d: {  	_ =	shalt  }
0x3e: {  	_ =	shalt  }
0x3f: {  	_ =	shalt  }
0x40: {  	_ =	shalt  }
0x41: {  	_ =	shalt  }
0x42: {  	_ =	shalt  }
0x43: {  	_ =	shalt  }
0x44: {  	_ =	shalt  }
0x45: {  	_ =	shalt  }
0x46: {  	_ =	shalt  }
0x47: {  	_ =	shalt  }
0x48: {  	_ =	shalt  }
0x49: {  	_ =	shalt  }
0x4a: {  	_ =	shalt  }
0x4b: {  	_ =	shalt  }
0x4c: {  	_ =	shalt  }
0x4d: {  	_ =	shalt  }
0x4e: {  	_ =	shalt  }
0x4f: {  	_ =	shalt  }
0x50: {  	_ =	shalt  }
0x51: {  	_ =	shalt  }
0x52: {  	_ =	shalt  }
0x53: {  	_ =	shalt  }
0x54: {  	_ =	shalt  }
0x55: {  	_ =	shalt  }
0x56: {  	_ =	shalt  }
0x57: {  	_ =	shalt  }
0x58: {  	_ =	shalt  }
0x59: {  	_ =	shalt  }
0x5a: {  	_ =	shalt  }
0x5b: {  	_ =	shalt  }
0x5c: {  	_ =	shalt  }
0x5d: {  	_ =	shalt  }
0x5e: {  	_ =	shalt  }
0x5f: {  	_ =	shalt  }
0x60: {  	_ =	shalt  }
0x61: {  	_ =	shalt  }
0x62: {  	_ =	shalt  }
0x63: {  	_ =	shalt  }
0x64: {  	_ =	shalt  }
0x65: {  	_ =	shalt  }
0x66: {  	_ =	shalt  }
0x67: {  	_ =	shalt  }
0x68: {  	_ =	shalt  }
0x69: {  	_ =	shalt  }
0x6a: {  	_ =	shalt  }
0x6b: {  	_ =	shalt  }
0x6c: {  	_ =	shalt  }
0x6d: {  	_ =	shalt  }
0x6e: {  	_ =	shalt  }
0x6f: {  	_ =	shalt  }
0x70: {  	_ =	shalt  }
0x71: {  	_ =	shalt  }
0x72: {  	_ =	shalt  }
0x73: {  	_ =	shalt  }
0x74: {  	_ =	shalt  }
0x75: {  	_ =	shalt  }
0x76: {  	_ =	shalt  }
0x77: {  	_ =	shalt  }
0x78: {  	_ =	shalt  }
0x79: {  	_ =	shalt  }
0x7a: {  	_ =	shalt  }
0x7b: {  	_ =	shalt  }
0x7c: {  	_ =	shalt  }
0x7d: {  	_ =	shalt  }
0x7e: {  	_ =	shalt  }
0x7f: {  	_ =	shalt  }
0x80: {  	_ =	shalt  }
0x81: {  	_ =	shalt  }
0x82: {  	_ =	shalt  }
0x83: {  	_ =	shalt  }
0x84: {  	_ =	shalt  }
0x85: {  	_ =	shalt  }
0x86: {  	_ =	shalt  }
0x87: {  	_ =	shalt  }
.Lfunc_end0:
.L_simem_size_0:
called_computation_lowered:
.L_overlay_start_0:
0x88: {  	s2 =	sld [smem:$0x3FD9]  }
0x89: {  	s3 =	sld [smem:$0x3FFE];
	_ =	sdelay $0x1  }
0x8a: {  	s1 =	srdreg.scid  }
0x8b: {  	s0 =	sand.u32 $0x1, s1  }
0x8c: {  	s17 =	sshll.u32 s0, $0xA;
	s2 =	sadd.s32 s3, s2  }
0x8d: {  	s2 =	sadd.s32 s2, s17  }
0x8e: {  	[smem:$0x3FC2] =	sst s2  }
0x8f: {  	_ = 	snop  }
0x90: {  	s2 =	sld [smem:$0x3FC9]  }
0x91: {  	s18 =	sld [smem:$0x3FC8]  }
0x92: {  	s4 =	sld [smem:$0x3FC7]  }
0x93: {  	s5 =	sld [smem:$0x3FC6]  }
0x94: {  	s6 =	sld [smem:$0x3FC5]  }
0x95: {  	s7 =	sld [smem:$0x3FC4];
	(tm) =	ssettm $0x1  }
0x96: {  	s8 =	sld [smem:$0x3FFB];
	_ =	sdelay $0x3  }
0x97: {  	_ =	strace s8  }
0x98: {  	s8 =	sld [smem:$0x3FFC];
	_ =	sdelay $0x3  }
0x99: {  	_ =	strace s8  }
0x9a: {  	s8 =	sld [smem:$0x3FFD];
	_ =	sdelay $0x3  }
0x9b: {  	_ =	strace s8  }
0x9c: {  	_ =	strace $0x8FFFFFFF  }
0x9d: {  	s19 =	sld [smem:$0x3FDB];
	_ =	sdelay $0x1  }
0x9e: {  	s9 =	simm.s32 $_scs_section_size  }
0x9f: {  	s10 =	simm.s32 $_size__tile_overlayer_lowered;
	s11 =	simm.s32 $_tile_overlayer_lowered  }
0xa0: {  	s22 =	simm.s32 $0x1BFF;
	s21 =	sshll.u32 s11, $0x1;
	s8 =	sadd.s32 s9, s19  }
0xa1: {  	s12 =	simm.s32 $0x0;
	s20 =	sshll.u32 s10, $0x1;
	s10 =	sadd.s32 s21, s8  }
0xa2: {  	[timem:s12], [sflag:s22] =	dma.local [hbm:s10], s20  }
0xa3: {  	_ =	swait.ge [sflag:s22], s20  }
0xa4: {  	s9 =	ssub.s32 $0x0, s20;
	[sflag:s22] =	ssyncset.done $0x0  }
0xa5: {  	[sflag:s22] =	ssyncadd.s32 s9;
	_ =	sdelay $0x1  }
0xa6: {  	s23 =	simm.s32 $0x1B8B  }
0xa7: {  	_ =	swait.ge [sflag:s23], $0x1  }
0xa8: {  	[sflag:s23] =	ssyncset.done $0x0  }
0xa9: {  	s25 =	simm.s32 $0x1B8E;
	s24 =	sld [smem:$0x3FFE];
	[sflag:s23] =	ssyncadd.s32 $0xFFFFFFFF  }
0xaa: {  	s26 =	simm.s32 $execute0_lowered;
	[smem:$0x3FD2] =	sst s25  }
0xab: {  	s10 =	sshll.u32 s26, $0x1;
	_ =	strace $0x80000046;
	[dreg:$0x1] =	wrdreg $0xFFFFFFFF  }
0xac: {  	s28 =	simm.s32 $_size_execute0_lowered;
	s8 =	sadd.s32 s8, s10;
	[dreg:$0x0] =	wrdreg $0x0  }
0xad: {  	s10 =	sshll.u32 s28, $0x1;
	[dreg:$0x2] =	wrdreg s8  }
0xae: {  	[dreg:$0x3] =	wrdreg s10  }
0xaf: {  	[dreg:$0x4] =	wrdreg $0xC0  }
0xb0: {  	_ =	task [dreg:s12], $0x5FFFF  }
0xb1: {  	[dreg:$0x1] =	wrdreg $0xFFFFFFFF  }
0xb2: {  	[dreg:$0x0] =	wrdreg $0x60  }
0xb3: {  	[dreg:$0x2] =	wrdreg s2  }
0xb4: {  	[dreg:$0x3] =	wrdreg s18  }
0xb5: {  	[dreg:$0x4] =	wrdreg s4  }
0xb6: {  	[dreg:$0x5] =	wrdreg s5  }
0xb7: {  	[dreg:$0x6] =	wrdreg s6  }
0xb8: {  	[dreg:$0x7] =	wrdreg s7  }
0xb9: {  	[dreg:$0x8] =	wrdreg s24  }
0xba: {  	[dreg:$0x9] =	wrdreg $0x9  }
0xbb: {  	_ =	task.clear_ibuf [dreg:s12], $0xAFFFF;
	_ =	strace $0x90000046  }
0xbc: {  	s29 =	simm.s32 $0x9;
	_ =	strace $0x80000048  }
0xbd: {  	_ =	swait.ge [sflag:s29], $0x1  }
0xbe: {  	[sflag:s29] =	ssyncadd.s32 $0xFFFFFFFF  }
0xbf: {  	_ =	strace $0x90000048  }
0xc0: {  	_ =	sfence  }
0xc1: {  	s30 =	sld [smem:$0x0];
	_ =	sdelay $0x2  }
0xc2: {  	s31 =	sshll.u32 s1, $0xD;
	s1 =	sshrl.u32 s1, $0x2  }
0xc3: {  	s3 =	sand.u32 $0x4000, s31;
	s1 =	sadd.s32 s1, s30  }
0xc4: {  	s0 =	sor.u32 s3, s0;
	s1 =	sshll.u32 s1, $0x11  }
0xc5: {  	s0 =	sor.u32 s1, s0  }
0xc6: {  	s0 =	sadd.s32 $0x8F2B, s0  }
0xc7: {  	[sflag:s0] =	ssyncadd.remote.s32 $0x1  }
0xc8: {  	_ =	sfence.sel $0xFFFF  }
0xc9: {  	[dreg:$0x0] =	wrdreg $0xFFFFFFFF;
	(pc) =	sbr.abs _section_cstart, $3  }
0xca: {  	[dreg:$0x1] =	wrdreg $0xFFFFFFFF  }
0xcb: {  	_ =	task.clear_ibuf [dreg:s12], $0x2FFFF;
	_ =	strace $0x9FFFFFFF  }
0xcc: {  	(tm) =	ssettm $0x7FFFFFFF  }
0xcd: {  	_ =	shalt  }
tec
execute0_lowered:
.L_overlay_start_1:
0x0: {  	(tag) =	ssettag $0x1  }
0x1: {  	s0 =	rddreg [dreg:$0x0]  }
0x2: {  	s1 =	rddreg [dreg:$0x1]  }
0x3: {  	s2 =	rddreg [dreg:$0x2]  }
0x4: {  	s3 =	rddreg [dreg:$0x6]  }
0x5: {  	s4 =	srdreg.scid;
	s6 =	stileid.u32  }
0x6: {  	s5 =	simm.s32 $0x0;
	s13 =	simm.s32 $0x4200;
	s15 =	simm.s32 $0x1000  }
0x7: {  	s16 =	simm.s32 $0x20000;
	s17 =	simm.s32 $0x2000;
	s18 =	simm.s32 $0x1  }
0x8: {  	s19 =	simm.s32 $0x2;
	s20 =	simm.s32 $0x3;
	s21 =	simm.s32 $0x4F00  }
0x9: {  	s22 =	simm.s32 $0x4;
	s23 =	simm.s32 $0x5;
	s24 =	simm.s32 $0x6  }
0xa: {  	s25 =	simm.s32 $0x5000;
	s28 =	simm.s32 $0x5180;
	s29 =	simm.s32 $0x7  }
0xb: {  	s30 =	simm.s32 $0x0;
	s4 =	sand.u32 $0x1, s4;
	s6 =	sshll.u32 s6, $0x1  }
0xc: {  	[smem:$0x7FF] =	sst s5;
	s7 =	ssub.s32 $0x2, s4;
	s4 =	sor.u32 s4, s6  }
0xd: {  	_ =	strace $0x80000047;
	s26 =	sshrl.u32 s7, $0x1;
	s8 =	sshll.u32 s4, $0x6  }
0xe: {  	v0 =	vimm.f32 $0.0e+00;
	vm0 =	vmmov $0xf;
	s9 =	sshll.u32 s4, $0x9;
	s31 =	sshll.u32 s4, $0x4;
	s10 =	ssub.s32 s7, s26  }
0xf: {  	v1 =	vimm.f32 $1.000000000e+00;
	v2 =	vlaneseq.u32;
	vm1 =	vcmask $0x272C;
	s6 =	sadd.s32 s2, s8;
	s7 =	sadd.s32 s1, s9;
	s8 =	sadd.s32 s0, s9  }
0x10: {  	v4 =	vimm.s32 $0x0;
	vm2 =	vmmov $0x1;
	v3 =	vmul.u32 $0x10, v2;
	s9 =	sadd.s32 s3, s31;
	s26 =	simm.s32 $0x5100;
	s10 =	smax.u32 s10, $0x1  }
.LBB2_1:
0x11: {  	s0 =	rddreg [dreg:$0x4];
	s1 =	simm.s32 $0x4A00  }
0x12: {  	[tilespmem:s1], [sflag:$0x1] =	stream.linear.gather [hbm4b:s0+s5], $0x1F4, $0x38;
	[tilespmem:$0x5200] =	vst v63  }
0x13: {  	s11 =	rddreg [dreg:$0x5];
	s12 =	simm.s32 $0x4C00  }
0x14: {  	[tilespmem:s12], [sflag:$0x2] =	stream.linear.gather [hbm4b:s11+s5], $0x1F4, $0x38;
	[tilespmem:$0x5200] =	vst v63  }
0x15: {  	s14 =	rddreg [dreg:$0x3]  }
0x16: {  	[tilespmem:s13], [sflag:$0x3] =	stream.linear.gather [hbm4b:s14+s5], $0x500, $0x38;
	[tilespmem:$0x5200] =	vst v63  }
0x17: {  	s31 =	simm.s32 $0x4000  }
0x18: {  	[tilespmem:s31], [sflag:$0x4] =	stream.linear.gather [hbm4b:s6+s5], $0x200, $0x38;
	[tilespmem:$0x5200] =	vst v63  }
0x19: {  	_ = 	snop  }
0x1a: {  	[tilespmem:s17], [sflag:$0x5] =	stream.strided.gather [hbm4b:s7+s15], $0x2000, s16, s15, $0x38;
	[tilespmem:$0x5200] =	vst v63  }
0x1b: {  	_ = 	snop  }
0x1c: {  	[tilespmem:s5], [sflag:$0x6] =	stream.strided.gather [hbm4b:s8+s15], $0x2000, s16, s15, $0x38;
	[tilespmem:$0x5200] =	vst v63  }
0x1d: {  	[tilespmem:$0x4E00] =	vst v0  }
0x1e: {  	[tilespmem:$0x4E10] =	vst v0  }
0x1f: {  	[tilespmem:$0x4E20] =	vst v0  }
0x20: {  	[tilespmem:$0x4E30] =	vst v0  }
0x21: {  	[tilespmem:$0x4E40] =	vst v0  }
0x22: {  	[tilespmem:$0x4E50] =	vst v0  }
0x23: {  	[tilespmem:$0x4E60] =	vst v0  }
0x24: {  	[tilespmem:$0x4E70] =	vst v0  }
0x25: {  	[tilespmem:$0x4E80] =	vst v0  }
0x26: {  	[tilespmem:$0x4E90] =	vst v0  }
0x27: {  	[tilespmem:$0x4EA0] =	vst v0  }
0x28: {  	_ =	swait.ge [sflag:s18], $0x1F4  }
0x29: {  	[sflag:s18] =	ssyncset.done $0x0  }
0x2a: {  	[sflag:s18] =	ssyncadd.s32 $0xFFFFFE0C  }
0x2b: {  	_ =	swait.ge [sflag:s19], $0x1F4  }
0x2c: {  	[sflag:s19] =	ssyncset.done $0x0  }
0x2d: {  	[sflag:s19] =	ssyncadd.s32 $0xFFFFFE0C  }
0x2e: {  	v5 =	vld [tilespmem:$0x4BF0]  }
0x2f: {  	v6 =	vld [tilespmem:$0x4DF0];
	_ =	sdelay $0x3  }
0x30: {  	v5 =	vnsel vm0, $0xA, v5  }
0x31: {  	[tilespmem:$0x4BF0] =	vst v5;
	v5 =	vnsel vm0, $0x0, v6  }
0x32: {  	s1 =	simm.s32 $0x0;
	s0 =	simm.s32 $0x40;
	[tilespmem:$0x4DF0] =	vst v5  }
.LBB2_2:
0x33: {  	p0 =	sne.s32 s0, $0x7C0;
	v5 =	vld [tilespmem:s1+$0x4A00]  }
0x34: {  	v6 =	vld [tilespmem:s1+$0x4C00];
	_ =	sdelay $0x3  }
0x35: {  	v5 =	vshll.u32 v5, $0x4  }
0x36: {  	v5 =	vadd.s32 v6, v5  }
.Ltmp0:
0x37: {  	(pc) =	sbr.rel @p0 .LBB2_2-.Ltmp0, $3  }
0x38: {  	_ =	sdelay $0x1  }
0x39: {  	s2 =	simm.s32 $0x4E00  }
0x3a: {  	s1 =	sshra.s32 s0, $0x2;
	s0 =	sadd.s32 $0x40, s0;
	[tilespmem:v5+s2+$0x0] =	vst.idx.add.f32.msk $0xffff, v1  }
0x3b: {  	v5 =	vld [tilespmem:s1+$0x4A00]  }
0x3c: {  	v6 =	vld [tilespmem:s1+$0x4C00];
	_ =	sdelay $0x3  }
0x3d: {  	v5 =	vshll.u32 v5, $0x4  }
0x3e: {  	v5 =	vadd.s32 v6, v5;
	_ =	sdelay $0x4  }
0x3f: {  	[tilespmem:v5+s2+$0x0] =	vst.idx.add.f32.msk $0xffff, v1  }
0x40: {  	v5 =	vld [tilespmem:s2+$0x0];
	_ =	sdelay $0x1  }
0x41: {  	s0 =	simm.s32 $0x4E10  }
0x42: {  	s11 =	simm.s32 $0x4E20;
	v7 =	vld [tilespmem:s0+$0x0]  }
0x43: {  	v8 =	vld [tilespmem:s11+$0x0]  }
0x44: {  	(xrf2) =	vadd.scan.msk.f32 $0xffff, v5;
	_ =	sdelay $0x2  }
0x45: {  	(xrf2) =	vadd.scan.msk.f32 $0xffff, v7  }
0x46: {  	(xrf2) =	vadd.scan.msk.f32 $0xffff, v8  }
0x47: {  	v6 =	vimm.f32 $0.0e+00  }
0x48: {  	v5 =	vadd.f32 v5, v6;
	_ =	sdelay $0x1  }
0x49: {  	v5 =	vadd.f32 v7, v5;
	_ =	sdelay $0x1  }
0x4a: {  	v5 =	vadd.f32 v8, v5;
	v8, _, _ =	vpop (xrf2)  }
0x4b: {  	(v2sf) =	vpush v8, $0xF  }
0x4c: {  	s12 =	simm.s32 $0x4E30  }
0x4d: {  	v9 =	vld [tilespmem:s12+$0x0];
	v8, _, _ =	vpop (xrf2)  }
0x4e: {  	s14 =	simm.s32 $0x4E40;
	(v2sf) =	vpush v8, $0xF;
	v8, _, _ =	vpop (xrf2)  }
0x4f: {  	v7 =	vld [tilespmem:s14+$0x0];
	(v2sf) =	vpush v8, $0xF;
	_ =	sdelay $0x2  }
0x50: {  	(xrf2) =	vadd.scan.msk.f32 $0xffff, v9;
	_ =	sdelay $0x1  }
0x51: {  	(xrf2) =	vadd.scan.msk.f32 $0xffff, v7;
	_ =	sdelay $0x1  }
0x52: {  	s31 =	simm.s32 $0x0;
	v5 =	vadd.f32 v9, v5  }
0x53: {  	s4 =	simm.s32 $0x2;
	s3 =	simm.s32 $0x3;
	s1 =	simm.s32 $0x4E50  }
0x54: {  	s11 =	simm.s32 $0x1;
	s2 =	simm.s32 $0x4;
	s0 =	simm.s32 $0x5;
	v5 =	vadd.f32 v7, v5;
	v8 =	vimm.f32 $0.0e+00  }
.LBB2_4:
0x55: {  	v7 =	vld [tilespmem:s1+$0x0];
	p0 =	sne.s32 s0, $0x9;
	s12 =	smov.u32 s0;
	s0 =	sadd.s32 $0x1, s0  }
.Ltmp1:
0x56: {  	s14 =	spop (v2sf);
	(pc) =	sbr.rel @p0 .LBB2_4-.Ltmp1, $4  }
0x57: {  	v9 =	vmov s31;
	s31 =	smov.u32 s11;
	s11 =	smov.u32 s4;
	s14 =	smul.f32 $2.000000090e-03, s14  }
0x58: {  	s4 =	smov.u32 s3;
	s3 =	smov.u32 s2;
	vm3 =	veq.s32 v9, v2;
	s2 =	smov.u32 s12;
	v10, _, _ =	vpop (xrf2)  }
0x59: {  	(v2sf) =	vpush v10, $0xF;
	v8 =	vsel vm3, s14, v8  }
0x5a: {  	s1 =	sadd.s32 $0x10, s1;
	v5 =	vadd.f32 v7, v5;
	(xrf2) =	vadd.scan.msk.f32 $0xffff, v7  }
0x5b: {  	_ =	sdelay $0x7  }
0x5c: {  	v7, _, _ =	vpop (xrf2)  }
0x5d: {  	s1 =	simm.s32 $0x0;
	(v2sf) =	vpush v7, $0xF;
	v7, _, _ =	vpop (xrf2)  }
0x5e: {  	v11 =	vld [tilespmem:s1+$0x4E00];
	(v2sf) =	vpush v7, $0xF;
	_ =	sdelay $0x2  }
0x5f: {  	s0 =	simm.s32 $0x10  }
0x60: {  	v7 =	vld [tilespmem:s0+$0x4E00]  }
0x61: {  	v9 =	vsel vm1, $0x0, v11  }
0x62: {  	(xrf2) =	vadd.scan.msk.f32 $0xffff, v9;
	_ =	sdelay $0x2  }
0x63: {  	s12 =	spop (v2sf);
	v9 =	vsel vm1, $0x0, v7  }
0x64: {  	s14 =	spop (v2sf);
	s12 =	smul.f32 $2.000000090e-03, s12;
	(xrf2) =	vadd.scan.msk.f32 $0xffff, v9;
	v9 =	vmov s31  }
0x65: {  	vm3 =	veq.s32 v9, v2;
	v9 =	vmov s11;
	s11 =	smul.f32 $2.000000090e-03, s14  }
0x66: {  	v8 =	vsel vm3, s12, v8;
	vm3 =	veq.s32 v9, v2;
	v9 =	vmov s4;
	s4 =	simm.s32 $0x20  }
0x67: {  	s31 =	spop (v2sf);
	v10 =	vsel vm3, s11, v8;
	v8 =	vld [tilespmem:s4+$0x4E00]  }
0x68: {  	s12 =	smul.f32 $2.000000090e-03, s31;
	s31 =	spop (v2sf)  }
0x69: {  	vm3 =	veq.s32 v9, v2;
	v9 =	vmov s3;
	s3 =	smul.f32 $2.000000090e-03, s31;
	s14 =	spop (v2sf)  }
0x6a: {  	v12, _, _ =	vpop (xrf2);
	v10 =	vsel vm3, s12, v10;
	vm3 =	veq.s32 v9, v2;
	v9 =	vmov s2;
	s31 =	smul.f32 $2.000000090e-03, s14  }
0x6b: {  	v12 =	vbroadcast v12, $0xF;
	v10 =	vsel vm3, s3, v10;
	vm3 =	veq.s32 v9, v2  }
0x6c: {  	s2 =	simm.s32 $0x30;
	v13 =	vsel vm1, $0x0, v8;
	v9 =	vsel vm3, s31, v10  }
0x6d: {  	(xrf2) =	vadd.scan.msk.f32 $0xffff, v13;
	v10 =	vld [tilespmem:s2+$0x4E00];
	v12 =	vmul.f32 v12, v9;
	_ =	sdelay $0x2  }
0x6e: {  	v11 =	vadd.f32 v12, v11  }
0x6f: {  	s3 =	simm.s32 $0x100;
	v12, _, _ =	vpop (xrf2)  }
.LBB2_6:
0x70: {  	s11 =	sshra.s32 s3, $0x2;
	p0 =	sne.s32 s3, $0x240;
	s3 =	sadd.s32 $0x40, s3;
	v13 =	vsel vm1, $0x0, v10;
	v12 =	vbroadcast v12, $0xF;
	[tilespmem:s1+$0x4F00] =	vst v11;
	v6 =	vadd.f32 v11, v6;
	v14 =	vmovc v10  }
.Ltmp2:
0x71: {  	s1 =	smov.u32 s0;
	s0 =	smov.u32 s4;
	v10 =	vld [tilespmem:s11+$0x4E00];
	(xrf2) =	vadd.scan.msk.f32 $0xffff, v13;
	(pc) =	sbr.rel @p0 .LBB2_6-.Ltmp2, $3  }
0x72: {  	s4 =	smov.u32 s2;
	s2 =	smov.u32 s11;
	v11 =	vmul.f32 v12, v9;
	_ =	sdelay $0x1  }
0x73: {  	v11 =	vadd.f32 v11, v7;
	v7 =	vmov v8;
	v8 =	vmov v14  }
0x74: {  	v12, _, _ =	vpop (xrf2)  }
0x75: {  	v13 =	vsel vm1, $0x0, v10  }
0x76: {  	(xrf2) =	vadd.scan.msk.f32 $0xffff, v13;
	_ =	sdelay $0x6  }
0x77: {  	v12 =	vbroadcast v12, $0xF  }
0x78: {  	v62, _, _ =	vpop (xrf2)  }
0x79: {  	v12 =	vmul.f32 v12, v9;
	v13 =	vbroadcast v62, $0xF  }
0x7a: {  	v6 =	vadd.f32 v11, v6;
	v14, _, _ =	vpop (xrf2)  }
0x7b: {  	v7 =	vadd.f32 v12, v7;
	v63 =	vmul.f32 v13, v9;
	v14 =	vbroadcast v14, $0xF;
	_ =	sdelay $0x1  }
0x7c: {  	v6 =	vadd.f32 v7, v6;
	v8 =	vadd.f32 v63, v8;
	v9 =	vmul.f32 v14, v9  }
0x7d: {  	[tilespmem:s1+$0x4F00] =	vst v11  }
0x7e: {  	s14 =	simm.s32 $0x0;
	[tilespmem:s0+$0x4F00] =	vst v7;
	v6 =	vadd.f32 v8, v6;
	v7 =	vadd.f32 v9, v10  }
0x7f: {  	[tilespmem:s4+$0x4F00] =	vst v8;
	v8 =	vor.u32 s14, v3  }
0x80: {  	[tilespmem:s2+$0x4F00] =	vst v7;
	v6 =	vadd.f32 v7, v6;
	v7 =	vmov s14  }
0x81: {  	_ =	swait.ge [sflag:s20], $0x500;
	vm3 =	veq.s32 v7, v2  }
0x82: {  	[sflag:s20] =	ssyncset.done $0x0;
	v9 =	vnsel vm3, $0x0, v6  }
0x83: {  	[sflag:s20] =	ssyncadd.s32 $0xFFFFFB00;
	(xrf2) =	vadd.scan.msk.f32 $0xffff, v9  }
0x84: {  	v8 =	vld.idx.msk [tilespmem:v8+s21+$0x0], $0xffff;
	_ =	sdelay $0x1  }
0x85: {  	v7 =	vshll.u32 v7, $0x7  }
0x86: {  	v7 =	vor.u32 v2, v7;
	_ =	sdelay $0x1  }
0x87: {  	(erf) = vrcp.f32 v8;
	_ =	sdelay $0x2  }
0x88: {  	v7 =	vld.idx.msk [tilespmem:v7+s13+$0x0], $0x3ff  }
0x89: {  	s31 =	simm.s32 $0x1;
	v9, _, _ =	vpop (xrf2)  }
0x8a: {  	v8 =	vmov s31;
	v9 =	vbroadcast v9, $0xF  }
0x8b: {  	vm3 =	veq.s32 v8, v2  }
0x8c: {  	v10 =	vnsel vm3, $0x0, v6  }
0x8d: {  	(xrf2) =	vadd.scan.msk.f32 $0xffff, v10;
	v10 =	vor.u32 s31, v3;
	v7 =	vmul.f32 v7, v9  }
0x8e: {  	v9 =	vpop (erf)  }
0x8f: {  	v7 =	vmul.f32 v9, v7  }
0x90: {  	s0 =	simm.s32 $0x5000  }
0x91: {  	[tilespmem:s0+$0x0] =	vst v7  }
0x92: {  	v7 =	vld.idx.msk [tilespmem:v10+s21+$0x0], $0xffff;
	_ =	sdelay $0x1  }
0x93: {  	v8 =	vshll.u32 v8, $0x7  }
0x94: {  	v8 =	vor.u32 v2, v8;
	_ =	sdelay $0x1  }
0x95: {  	(erf) = vrcp.f32 v7;
	_ =	sdelay $0x2  }
0x96: {  	v8 =	vld.idx.msk [tilespmem:v8+s13+$0x0], $0x3ff;
	_ =	sdelay $0x1  }
0x97: {  	v9, _, _ =	vpop (xrf2)  }
0x98: {  	v9 =	vbroadcast v9, $0xF  }
0x99: {  	s1 =	simm.s32 $0x2  }
0x9a: {  	s2 =	simm.s32 $0x3;
	v7 =	vor.u32 s1, v3;
	v8 =	vmul.f32 v8, v9  }
.LBB2_8:
0x9b: {  	p0 =	sne.s32 s2, $0x9;
	v9 =	vpop (erf)  }
0x9c: {  	v8 =	vmul.f32 v9, v8  }
0x9d: {  	s0 =	sadd.s32 $0x10, s0;
	v9 =	vmov s1;
	s1 =	smov.u32 s2  }
0x9e: {  	vm3 =	veq.s32 v9, v2;
	[tilespmem:s0+$0x0] =	vst v8  }
0x9f: {  	v8 =	vnsel vm3, $0x0, v6;
	v7 =	vld.idx.msk [tilespmem:v7+s21+$0x0], $0xffff  }
0xa0: {  	(xrf2) =	vadd.scan.msk.f32 $0xffff, v8  }
0xa1: {  	v8 =	vshll.u32 v9, $0x7  }
0xa2: {  	v8 =	vor.u32 v2, v8;
	_ =	sdelay $0x2  }
0xa3: {  	(erf) = vrcp.f32 v7;
	_ =	sdelay $0x1  }
0xa4: {  	v8 =	vld.idx.msk [tilespmem:v8+s13+$0x0], $0x3ff;
	_ =	sdelay $0x1  }
.Ltmp3:
0xa5: {  	(pc) =	sbr.rel @p0 .LBB2_8-.Ltmp3, $3  }
0xa6: {  	v7, _, _ =	vpop (xrf2)  }
0xa7: {  	v9 =	vbroadcast v7, $0xF;
	_ =	sdelay $0x1  }
0xa8: {  	s2 =	sadd.s32 $0x1, s2;
	v7 =	vor.u32 s1, v3;
	v8 =	vmul.f32 v8, v9  }
0xa9: {  	(xrf0) =	vmax.scan.msk.f32 $0xffff, v5;
	_ =	sdelay $0x5  }
0xaa: {  	v9, _, _ =	vpop (xrf0)  }
0xab: {  	(v2sf) =	vpush v9, $0xF;
	_ =	sdelay $0x8  }
0xac: {  	v9 =	vpop (erf)  }
0xad: {  	v8 =	vmul.f32 v9, v8;
	v9 =	vmov s1  }
0xae: {  	vm3 =	veq.s32 v9, v2  }
0xaf: {  	s0 =	sadd.s32 $0x10, s0;
	v6 =	vnsel vm3, $0x0, v6  }
0xb0: {  	[tilespmem:s0+$0x0] =	vst v8;
	(xrf2) =	vadd.scan.msk.f32 $0xffff, v6  }
0xb1: {  	v7 =	vld.idx.msk [tilespmem:v7+s21+$0x0], $0xffff  }
0xb2: {  	s3 =	spop (v2sf)  }
0xb3: {  	v6 =	vshll.u32 v9, $0x7;
	s1 =	sadd.f32 s3, s3  }
0xb4: {  	v6 =	vor.u32 v2, v6  }
0xb5: {  	v8 =	vsub.f32 s1, v5  }
0xb6: {  	(erf) = vrcp.f32 v7  }
0xb7: {  	(erf) = vrcp.f32 v8;
	_ =	sdelay $0x1  }
0xb8: {  	v6 =	vld.idx.msk [tilespmem:v6+s13+$0x0], $0x3ff  }
0xb9: {  	v7, _, _ =	vpop (xrf2)  }
0xba: {  	v7 =	vbroadcast v7, $0xF;
	_ =	sdelay $0x2  }
0xbb: {  	v6 =	vmul.f32 v6, v7  }
0xbc: {  	v7 =	vpop (erf)  }
0xbd: {  	v6 =	vmul.f32 v7, v6;
	v7 =	vpop (erf)  }
0xbe: {  	s0 =	sadd.s32 $0x10, s0;
	v5 =	vmul.f32 v7, v5  }
0xbf: {  	[tilespmem:s0+$0x0] =	vst v6  }
0xc0: {  	[tilespmem:$0x5100] =	vst v5  }
0xc1: {  	_ =	swait.ge [sflag:s22], $0x200  }
0xc2: {  	[sflag:s22] =	ssyncset.done $0x0  }
0xc3: {  	[sflag:s22] =	ssyncadd.s32 $0xFFFFFE00  }
0xc4: {  	_ =	swait.ge [sflag:s23], $0x2000  }
0xc5: {  	[sflag:s23] =	ssyncset.done $0x0  }
0xc6: {  	[sflag:s23] =	ssyncadd.s32 $0xFFFFE000  }
0xc7: {  	s4 =	simm.s32 $0x0;
	_ =	swait.ge [sflag:s24], $0x2000  }
0xc8: {  	s11 =	sand.u32 $0x70, s4;
	s2 =	sand.u32 $0xC00, s4;
	[sflag:s24] =	ssyncset.done $0x0  }
0xc9: {  	s0 =	sor.u32 s11, s2;
	[sflag:s24] =	ssyncadd.s32 $0xFFFFE000  }
0xca: {  	v7 =	vld [tilespmem:s0+$0x2000]  }
0xcb: {  	v6 =	vld [tilespmem:s0+$0x0]  }
0xcc: {  	s2 =	sor.u32 s2, s4;
	v9 =	vld [tilespmem:s0+$0x80]  }
0xcd: {  	s2 =	sor.u32 $0x180, s2;
	v10 =	vld [tilespmem:s0+$0x100]  }
0xce: {  	v11 =	vld [tilespmem:s2+$0x0]  }
0xcf: {  	v12 =	vld [tilespmem:s0+$0x200]  }
0xd0: {  	s3 =	sor.u32 s4, s4;
	v13 =	vld [tilespmem:s0+$0x280]  }
0xd1: {  	s3 =	sor.u32 $0x380, s3;
	v14 =	vld [tilespmem:s0+$0x300];
	v5 =	vmax.f32 v6, v9  }
0xd2: {  	v15 =	vld [tilespmem:s3+$0x0];
	v5 =	vmax.f32 v5, v10  }
0xd3: {  	v16 =	vld [tilespmem:s0+$0x1000];
	v5 =	vmax.f32 v5, v11  }
0xd4: {  	v17 =	vld [tilespmem:s0+$0x1080];
	v5 =	vmax.f32 v5, v12  }
0xd5: {  	v8 =	vld [tilespmem:s0+$0x2080];
	v5 =	vmax.f32 v5, v13  }
0xd6: {  	v18 =	vld [tilespmem:s0+$0x2100];
	v5 =	vmax.f32 v5, v14  }
0xd7: {  	v19 =	vld [tilespmem:s2+$0x2000];
	v5 =	vmax.f32 v5, v15  }
0xd8: {  	v20 =	vld [tilespmem:s0+$0x2200];
	v5 =	vmax.f32 v5, v16  }
0xd9: {  	v21 =	vld [tilespmem:s0+$0x2280];
	v5 =	vmax.f32 v5, v17  }
0xda: {  	v22 =	vmax.f32 v7, v8;
	v6 =	vsub.f32 v6, v5  }
0xdb: {  	v23 =	vld [tilespmem:s0+$0x2300];
	v22 =	vmax.f32 v22, v18;
	v9 =	vsub.f32 v9, v5  }
0xdc: {  	v22 =	vmax.f32 v22, v19;
	v6 =	vmul.f32 $1.442695020e+00, v6  }
0xdd: {  	v24 =	vld [tilespmem:s3+$0x2000];
	v22 =	vmax.f32 v22, v20;
	v10 =	vsub.f32 v10, v5;
	v9 =	vmul.f32 $1.442695020e+00, v9  }
0xde: {  	v22 =	vmax.f32 v22, v21;
	(erf) = vpow2.f32 v6  }
0xdf: {  	v25 =	vld [tilespmem:s0+$0x3000];
	v10 =	vmul.f32 $1.442695020e+00, v10;
	v6 =	vsub.f32 v11, v5;
	(erf) = vpow2.f32 v9  }
0xe0: {  	v22 =	vmax.f32 v22, v23;
	v11 =	vld [tilespmem:s0+$0x3080]  }
0xe1: {  	v6 =	vmul.f32 $1.442695020e+00, v6;
	(erf) = vpow2.f32 v10;
	v10 =	vsub.f32 v12, v5  }
0xe2: {  	v9 =	vmax.f32 v22, v24  }
0xe3: {  	v12 =	vsub.f32 v13, v5;
	v10 =	vmul.f32 $1.442695020e+00, v10;
	(erf) = vpow2.f32 v6  }
0xe4: {  	v9 =	vmax.f32 v9, v25;
	v13 =	vsub.f32 v14, v5  }
0xe5: {  	v12 =	vmul.f32 $1.442695020e+00, v12;
	v9 =	vmax.f32 v9, v11;
	(erf) = vpow2.f32 v10  }
0xe6: {  	v10 =	vsub.f32 v11, v9;
	v11 =	vmul.f32 $1.442695020e+00, v13  }
0xe7: {  	v13 =	vsub.f32 v15, v5;
	(erf) = vpow2.f32 v12;
	v14 =	vpop (erf)  }
0xe8: {  	v16 =	vsub.f32 v16, v5;
	v17 =	vsub.f32 v17, v5;
	v22 =	vpop (erf)  }
0xe9: {  	s0 =	simm.s32 $0x4000;
	v12 =	vor.u32 s4, v2;
	v13 =	vmul.f32 $1.442695020e+00, v13;
	v14 =	vadd.f32 v22, v14  }
0xea: {  	v15 =	vsub.f32 v25, v9;
	v25 =	vld [tilespmem:s0+$0x0];
	v24 =	vsub.f32 v24, v9;
	(erf) = vpow2.f32 v11;
	v11 =	vpop (erf)  }
0xeb: {  	v18 =	vsub.f32 v18, v9;
	(erf) = vpow2.f32 v13;
	v11 =	vadd.f32 v14, v11  }
0xec: {  	v13 =	vsub.f32 v21, v9;
	v21 =	vand.u32 $0x7F, v12;
	v14 =	vmul.f32 $1.442695020e+00, v16;
	v12 =	vpop (erf)  }
0xed: {  	v7 =	vsub.f32 v7, v9;
	v11 =	vadd.f32 v11, v12  }
0xee: {  	v12 =	vmul.f32 $1.442695020e+00, v17;
	(erf) = vpow2.f32 v14;
	v17 =	vsub.f32 v20, v9;
	v20 =	vpop (erf)  }
0xef: {  	v8 =	vsub.f32 v8, v9;
	v31 =	vadd.s32 $0x50, v25;
	v11 =	vadd.f32 v11, v20  }
0xf0: {  	v16 =	vsub.f32 v23, v9;
	v14 =	vsub.f32 v19, v9;
	v9 =	vpop (erf);
	(erf) = vpow2.f32 v12  }
0xf1: {  	v9 =	vadd.f32 v11, v9;
	v11 =	vadd.f32 v7, v7  }
0xf2: {  	v23 =	vadd.s32 $0x30, v25  }
0xf3: {  	s31 =	simm.s32 $0x10;
	s3 =	simm.s32 $0x80;
	v10 =	vadd.f32 v10, v10;
	v27 =	vadd.f32 v15, v15;
	v7 =	vpop (erf);
	v11 =	vmul.f32 $1.442695020e+00, v11  }
0xf4: {  	s12 =	sand.u32 $0x70, s31;
	s14 =	sand.u32 $0xC00, s3;
	v6 =	vimm.f32 $0.0e+00;
	v12 =	vadd.f32 v8, v8;
	v9 =	vadd.f32 v9, v7  }
0xf5: {  	s1 =	sor.u32 s12, s14;
	v24 =	vadd.f32 v24, v24;
	v18 =	vadd.f32 v18, v18;
	v10 =	vmul.f32 $1.442695020e+00, v10;
	v31 =	vld.idx.msk [tilespmem:v31+s25+$0x0], $0xffff;
	v15 =	vpop (erf)  }
0xf6: {  	v29 =	vadd.f32 v16, v16;
	v8 =	vld [tilespmem:s1+$0x2000];
	v16 =	vmul.f32 $1.442695020e+00, v12;
	v15 =	vadd.f32 v9, v15  }
0xf7: {  	v18 =	vmul.f32 $1.442695020e+00, v18;
	v28 =	vadd.s32 $0x10, v25;
	v23 =	vld.idx.msk [tilespmem:v23+s25+$0x0], $0xffff;
	(erf) = vpow2.f32 v11;
	v11 =	vpop (erf)  }
0xf8: {  	v27 =	vmul.f32 $1.442695020e+00, v27;
	v12 =	vld [tilespmem:s1+$0x280];
	(erf) = vpow2.f32 v16;
	v11 =	vadd.f32 v15, v11  }
0xf9: {  	v24 =	vmul.f32 $1.442695020e+00, v24;
	v14 =	vadd.f32 v14, v14;
	v7 =	vld [tilespmem:s1+$0x2100];
	(erf) = vpow2.f32 v10;
	v10 =	vpop (erf)  }
0xfa: {  	v26 =	vadd.s32 $0x20, v25;
	v13 =	vadd.f32 v13, v13;
	v9 =	vld [tilespmem:s1+$0x2080];
	v11 =	vadd.f32 v11, v10  }
0xfb: {  	v17 =	vadd.f32 v17, v17;
	v14 =	vmul.f32 $1.442695020e+00, v14;
	v16 =	vld [tilespmem:s1+$0x0];
	(erf) = vpow2.f32 v18  }
0xfc: {  	v13 =	vmul.f32 $1.442695020e+00, v13;
	(erf) = vpow2.f32 v27;
	v27 =	vld.idx.msk [tilespmem:v28+s25+$0x0], $0xffff;
	v28 =	vand.u32 $0x7FFFFF, v11  }
0xfd: {  	v17 =	vmul.f32 $1.442695020e+00, v17;
	v10 =	vld.idx.msk [tilespmem:v25+s25+$0x0], $0xffff;
	(erf) = vpow2.f32 v14;
	v28 =	vor.u32 $0x3F800000, v28  }
0xfe: {  	v19 =	vadd.s32 $0x90, v25;
	v18 =	vld [tilespmem:s1+$0x80];
	(erf) = vpow2.f32 v24;
	v30 =	vadd.f32 $1.000000000e+00, v28  }
0xff: {  	s2 =	sor.u32 s14, s31;
	v22 =	vmov s4;
	v20 =	vadd.s32 $0x40, v25;
	v15 =	vld [tilespmem:s1+$0x100];
	(erf) = vpow2.f32 v17  }
0x100: {  	s4 =	sor.u32 $0x180, s2;
	v22 =	vshll.u32 v22, $0x3;
	v24 =	vld.idx.msk [tilespmem:v26+s25+$0x0], $0xffff;
	v26 =	vadd.s32 $0x80, v25;
	(erf) = vpow2.f32 v13  }
0x101: {  	v29 =	vmul.f32 $1.442695020e+00, v29;
	v17 =	vld [tilespmem:s4+$0x0];
	v13 =	vadd.s32 $0x70, v25;
	v32 =	vpop (erf);
	(erf) = vrcp.f32 v30  }
0x102: {  	v22 =	vand.u32 $0xC00, v22;
	v14 =	vld [tilespmem:s1+$0x200];
	v25 =	vadd.s32 $0x60, v25;
	v10 =	vmul.f32 v32, v10;
	v30 =	vpop (erf)  }
0x103: {  	(erf) = vpow2.f32 v29;
	v29 =	vld.idx.msk [tilespmem:v19+s25+$0x0], $0xffff;
	v19 =	vmax.f32 v16, v18;
	v27 =	vmul.f32 v30, v27;
	v30 =	vpop (erf)  }
0x104: {  	v62 =	vld.idx.msk [tilespmem:v20+s25+$0x0], $0xffff;
	v20 =	vmax.f32 v8, v9;
	v33 =	vmax.f32 v19, v15;
	v19 =	vor.u32 v22, v21;
	v21 =	vpop (erf)  }
0x105: {  	v26 =	vld.idx.msk [tilespmem:v26+s25+$0x0], $0xffff;
	v22 =	vmax.f32 v20, v7;
	vm7 =	vgt.f32 v27, v10;
	v21 =	vmul.f32 v21, v24;
	v24 =	vpop (erf)  }
0x106: {  	v35 =	vld.idx.msk [tilespmem:v13+s25+$0x0], $0xffff;
	v33 =	vmax.f32 v33, v17;
	v13 =	vadd.f32 v27, v10;
	v63 =	vsel vm7, v27, v10;
	v34 =	vpop (erf)  }
0x107: {  	v20 =	vmax.f32 v33, v14;
	vm3 =	vgt.f32 v21, v63;
	v34 =	vmul.f32 v34, v23;
	v36 =	vpop (erf)  }
0x108: {  	v28 =	vadd.f32 $-1.000000000e+00, v28;
	v25 =	vld.idx.msk [tilespmem:v25+s25+$0x0], $0xffff;
	v20 =	vmax.f32 v20, v12;
	v23 =	vsel vm3, v21, v63;
	v27 =	vpop (erf)  }
0x109: {  	v10 =	vmul.f32 v29, v30;
	vm4 =	vgt.f32 v34, v23;
	v27 =	vmul.f32 v62, v27;
	v29 =	vpop (erf)  }
0x10a: {  	v21 =	vadd.f32 v13, v21;
	v30 =	vsel vm4, v34, v23;
	v23 =	vmul.f32 v26, v24;
	v13 =	vpop (erf)  }
0x10b: {  	v26 =	vmul.f32 v31, v29;
	vm5 =	vgt.f32 v27, v30;
	v13 =	vmul.f32 v13, v28  }
0x10c: {  	v29 =	vadd.f32 v21, v34;
	v24 =	vmul.f32 v35, v36;
	v28 =	vpop (erf);
	v30 =	vsel vm5, v27, v30  }
0x10d: {  	v25 =	vmul.f32 v25, v28;
	vm6 =	vgt.f32 v26, v30;
	v21 =	vmul.f32 v13, v13  }
0x10e: {  	s2 =	simm.s32 $0x20;
	v28 =	vsel vm7, $0x1, v4;
	v29 =	vadd.f32 v29, v27;
	v27 =	vsel vm6, v26, v30  }
.LBB2_10:
0x10f: {  	p0 =	sne.s32 s2, $0x1F0;
	v28 =	vsel vm3, $0x2, v28;
	vm3 =	vgt.f32 v25, v27;
	v30 =	vmul.f32 $2.222222240e-01, v21  }
0x110: {  	s11 =	sor.u32 s3, s31;
	v28 =	vsel vm4, $0x3, v28;
	v26 =	vadd.f32 v29, v26;
	v27 =	vsel vm3, v25, v27  }
0x111: {  	s11 =	sor.u32 $0x380, s11;
	v29 =	vld [tilespmem:s1+$0x300];
	v28 =	vsel vm5, $0x4, v28;
	vm4 =	vgt.f32 v24, v27;
	v30 =	vadd.f32 $2.857142980e-01, v30  }
0x112: {  	v31 =	vld [tilespmem:s11+$0x0];
	v28 =	vsel vm6, $0x5, v28;
	v25 =	vadd.f32 v26, v25;
	v26 =	vsel vm4, v24, v27  }
0x113: {  	v27 =	vsel vm3, $0x6, v28;
	vm3 =	vgt.f32 v23, v26;
	v28 =	vmul.f32 v30, v21  }
0x114: {  	v27 =	vsel vm4, $0x7, v27;
	v24 =	vadd.f32 v25, v24;
	v25 =	vsel vm3, v23, v26  }
0x115: {  	v26 =	vld [tilespmem:s1+$0x1000];
	v27 =	vsel vm3, $0x8, v27;
	vm3 =	vgt.f32 v10, v25;
	v28 =	vadd.f32 $4.000000060e-01, v28  }
0x116: {  	v30 =	vld [tilespmem:s1+$0x1080];
	v20 =	vmax.f32 v20, v29;
	v23 =	vadd.f32 v24, v23;
	v24 =	vsel vm3, $0x9, v27  }
0x117: {  	v27 =	vld [tilespmem:s4+$0x2000];
	v20 =	vmax.f32 v20, v31;
	v32 =	vshll.u32 v24, $0x9;
	v28 =	vmul.f32 v28, v21  }
0x118: {  	v34 =	vshll.u32 v24, $0x7;
	v33 =	vld [tilespmem:s1+$0x2200];
	v23 =	vadd.f32 v23, v10;
	v32 =	vand.u32 $0x7FFFF000, v32  }
0x119: {  	v34 =	vand.u32 $0x380, v34;
	v35 =	vld [tilespmem:s1+$0x2280];
	v19 =	vor.u32 v32, v19;
	v28 =	vadd.f32 $6.666666860e-01, v28  }
0x11a: {  	v20 =	vmax.f32 v20, v26;
	v19 =	vor.u32 v34, v19;
	(erf) = vrcp.f32 v23  }
0x11b: {  	v11 =	vshrl.u32 v11, $0x17;
	v23 =	vld [tilespmem:s1+$0x2300];
	v20 =	vmax.f32 v20, v30;
	v21 =	vmul.f32 v28, v21  }
0x11c: {  	v11 =	vadd.s32 $0xFFFFFF81, v11;
	v22 =	vmax.f32 v22, v27;
	v16 =	vsub.f32 v16, v20  }
0x11d: {  	v11 =	vcvt.s32.f32 v11;
	v28 =	vld [tilespmem:s11+$0x2000];
	v22 =	vmax.f32 v22, v33;
	v21 =	vadd.f32 $2.000000000e+00, v21  }
0x11e: {  	v18 =	vsub.f32 v18, v20;
	v22 =	vmax.f32 v22, v35;
	v16 =	vmul.f32 $1.442695020e+00, v16;
	v24 =	vld.idx.msk [tilespmem:v24+s26+$0x0], $0xffff  }
0x11f: {  	v11 =	vmul.f32 $6.931471820e-01, v11;
	v15 =	vsub.f32 v15, v20;
	v19 =	vld.idx.msk [tilespmem:v19+s5+$0x0], $0xffff;
	v13 =	vmul.f32 v21, v13  }
0x120: {  	v17 =	vsub.f32 v17, v20;
	v18 =	vmul.f32 $1.442695020e+00, v18;
	v21 =	vld [tilespmem:s1+$0x3000];
	v22 =	vmax.f32 v22, v23  }
0x121: {  	v15 =	vmul.f32 $1.442695020e+00, v15;
	(erf) = vpow2.f32 v16;
	v11 =	vadd.f32 v13, v11  }
0x122: {  	v17 =	vmul.f32 $1.442695020e+00, v17;
	v13 =	vld [tilespmem:s1+$0x3080];
	v16 =	vmax.f32 v22, v28;
	(erf) = vpow2.f32 v18  }
0x123: {  	v10 =	vsel vm3, v10, v25;
	(erf) = vpow2.f32 v15;
	v11 =	vadd.f32 v11, v5;
	v5 =	vpop (erf)  }
0x124: {  	v14 =	vsub.f32 v14, v20;
	v15 =	vmul.f32 $9.499999880e-01, v24;
	v10 =	vmul.f32 v10, v5;
	v5 =	vmovc v20  }
0x125: {  	v16 =	vmax.f32 v16, v21;
	v12 =	vsub.f32 v12, v5;
	v11 =	vsub.f32 v11, v19  }
0x126: {  	v14 =	vmul.f32 $1.442695020e+00, v14;
	(erf) = vpow2.f32 v17;
	vm3 =	vgt.f32 v10, v15  }
0x127: {  	v10 =	vmax.f32 v16, v13;
	v16 =	vsub.f32 v29, v5;
	v11 =	vnsel vm3, $0x0, v11  }
0x128: {  	v12 =	vmul.f32 $1.442695020e+00, v12;
	(erf) = vpow2.f32 v14;
	v6 =	vadd.f32 v11, v6  }
0x129: {  	v11 =	vsub.f32 v13, v10  }
0x12a: {  	v14 =	vsub.f32 v31, v5;
	v13 =	vmul.f32 $1.442695020e+00, v16;
	v15 =	vpop (erf);
	(erf) = vpow2.f32 v12  }
0x12b: {  	s0 =	sadd.s32 $0x10, s0;
	v17 =	vsub.f32 v26, v5;
	v16 =	vsub.f32 v21, v10;
	v12 =	vor.u32 s31, v2;
	v18 =	vpop (erf)  }
0x12c: {  	v14 =	vmul.f32 $1.442695020e+00, v14;
	v19 =	vld [tilespmem:s0+$0x0];
	v15 =	vadd.f32 v18, v15;
	v18 =	vpop (erf);
	(erf) = vpow2.f32 v13  }
0x12d: {  	v20 =	vsub.f32 v28, v10;
	v21 =	vsub.f32 v30, v5;
	v13 =	vmov s31;
	s31 =	smov.u32 s2  }
0x12e: {  	v17 =	vmul.f32 $1.442695020e+00, v17;
	v15 =	vadd.f32 v15, v18;
	(erf) = vpow2.f32 v14  }
0x12f: {  	v22 =	vand.u32 $0x7F, v12;
	v18 =	vsub.f32 v35, v10;
	v14 =	vsub.f32 v23, v10;
	v12 =	vpop (erf)  }
0x130: {  	v26 =	vadd.f32 v15, v12;
	v15 =	vmul.f32 $1.442695020e+00, v21;
	(erf) = vpow2.f32 v17  }
0x131: {  	v17 =	vsub.f32 v27, v10;
	v21 =	vsub.f32 v33, v10;
	v23 =	vadd.s32 $0x90, v19;
	v24 =	vpop (erf)  }
0x132: {  	v25 =	vsub.f32 v7, v10;
	v7 =	vadd.f32 v26, v24;
	(erf) = vpow2.f32 v15  }
0x133: {  	s3 =	sadd.s32 $0x80, s3;
	v9 =	vsub.f32 v9, v10;
	v27 =	vsub.f32 v8, v10;
	v10 =	vadd.s32 $0x40, v19;
	v12 =	vpop (erf)  }
0x134: {  	s4 =	sand.u32 $0xC00, s3;
	s1 =	sand.u32 $0x70, s2;
	v11 =	vadd.f32 v11, v11;
	v24 =	vadd.s32 $0x30, v19;
	v12 =	vadd.f32 v7, v12  }
0x135: {  	s1 =	sor.u32 s1, s4;
	v16 =	vadd.f32 v16, v16;
	v15 =	vadd.f32 v27, v27;
	v26 =	vadd.s32 $0x20, v19;
	v8 =	vpop (erf)  }
0x136: {  	v28 =	vadd.s32 $0x10, v19;
	v27 =	vadd.f32 v9, v9;
	v7 =	vld [tilespmem:s1+$0x2100];
	v12 =	vadd.f32 v12, v8  }
0x137: {  	v20 =	vadd.f32 v20, v20;
	v29 =	vadd.f32 v14, v14;
	v31 =	vmul.f32 $1.442695020e+00, v15;
	v8 =	vld [tilespmem:s1+$0x2000];
	v14 =	vpop (erf)  }
0x138: {  	v25 =	vadd.f32 v25, v25;
	v27 =	vmul.f32 $1.442695020e+00, v27;
	v9 =	vld [tilespmem:s1+$0x2080];
	v30 =	vadd.f32 v12, v14  }
0x139: {  	v32 =	vmul.f32 $1.442695020e+00, v11;
	v17 =	vadd.f32 v17, v17;
	v12 =	vld [tilespmem:s1+$0x280];
	(erf) = vpow2.f32 v31;
	v15 =	vpop (erf)  }
0x13a: {  	v25 =	vmul.f32 $1.442695020e+00, v25;
	v14 =	vld [tilespmem:s1+$0x200];
	v30 =	vadd.f32 v30, v15;
	(erf) = vpow2.f32 v27  }
0x13b: {  	v21 =	vadd.f32 v21, v21;
	v27 =	vmul.f32 $1.442695020e+00, v16;
	v15 =	vld [tilespmem:s1+$0x100];
	(erf) = vpow2.f32 v32;
	v11 =	vpop (erf)  }
0x13c: {  	v17 =	vmul.f32 $1.442695020e+00, v17;
	v16 =	vld [tilespmem:s1+$0x0];
	v11 =	vadd.f32 v30, v11;
	(erf) = vpow2.f32 v25  }
0x13d: {  	v20 =	vmul.f32 $1.442695020e+00, v20;
	v30 =	vadd.f32 v18, v18;
	v25 =	vld.idx.msk [tilespmem:v19+s25+$0x0], $0xffff;
	(erf) = vpow2.f32 v27  }
0x13e: {  	v21 =	vmul.f32 $1.442695020e+00, v21;
	v27 =	vld.idx.msk [tilespmem:v28+s25+$0x0], $0xffff;
	v28 =	vand.u32 $0x7FFFFF, v11;
	(erf) = vpow2.f32 v17  }
0x13f: {  	s4 =	sor.u32 s4, s2;
	v30 =	vmul.f32 $1.442695020e+00, v30;
	v18 =	vld [tilespmem:s1+$0x80];
	v28 =	vor.u32 $0x3F800000, v28;
	(erf) = vpow2.f32 v20  }
0x140: {  	s4 =	sor.u32 $0x180, s4;
	v20 =	vld.idx.msk [tilespmem:v26+s25+$0x0], $0xffff;
	v26 =	vadd.s32 $0x80, v19;
	v31 =	vadd.f32 $1.000000000e+00, v28;
	(erf) = vpow2.f32 v21  }
0x141: {  	v29 =	vmul.f32 $1.442695020e+00, v29;
	v21 =	vadd.s32 $0x50, v19;
	v17 =	vld [tilespmem:s4+$0x0];
	(erf) = vpow2.f32 v30  }
0x142: {  	v13 =	vshll.u32 v13, $0x3;
	v30 =	vadd.s32 $0x70, v19;
	v24 =	vld.idx.msk [tilespmem:v24+s25+$0x0], $0xffff;
	v32 =	vpop (erf);
	(erf) = vrcp.f32 v31  }
0x143: {  	v34 =	vand.u32 $0xC00, v13;
	v31 =	vadd.s32 $0x60, v19;
	v23 =	vld.idx.msk [tilespmem:v23+s25+$0x0], $0xffff;
	v19 =	vpop (erf);
	(erf) = vpow2.f32 v29  }
0x144: {  	v25 =	vmul.f32 v32, v25;
	v29 =	vmax.f32 v16, v18;
	v27 =	vmul.f32 v19, v27;
	v32 =	vld.idx.msk [tilespmem:v10+s25+$0x0], $0xffff;
	v10 =	vpop (erf)  }
0x145: {  	v35 =	vmax.f32 v8, v9;
	v19 =	vor.u32 v34, v22;
	v29 =	vmax.f32 v29, v15;
	v26 =	vld.idx.msk [tilespmem:v26+s25+$0x0], $0xffff;
	v13 =	vpop (erf)  }
0x146: {  	v29 =	vmax.f32 v29, v17;
	vm7 =	vgt.f32 v27, v25;
	v13 =	vmul.f32 v13, v20;
	v21 =	vld.idx.msk [tilespmem:v21+s25+$0x0], $0xffff;
	v34 =	vpop (erf)  }
0x147: {  	v22 =	vmax.f32 v35, v7;
	v20 =	vmax.f32 v29, v14;
	v29 =	vsel vm7, v27, v25;
	v30 =	vld.idx.msk [tilespmem:v30+s25+$0x0], $0xffff;
	v33 =	vpop (erf)  }
0x148: {  	v20 =	vmax.f32 v20, v12;
	vm3 =	vgt.f32 v13, v29;
	v24 =	vmul.f32 v33, v24;
	v31 =	vld.idx.msk [tilespmem:v31+s25+$0x0], $0xffff;
	v33 =	vpop (erf)  }
0x149: {  	v25 =	vadd.f32 v27, v25;
	v10 =	vmul.f32 v23, v10;
	v27 =	vsel vm3, v13, v29;
	v23 =	vpop (erf)  }
0x14a: {  	v28 =	vadd.f32 $-1.000000000e+00, v28;
	vm4 =	vgt.f32 v24, v27;
	v29 =	vmul.f32 v32, v23;
	v32 =	vpop (erf)  }
.Ltmp4:
0x14b: {  	v25 =	vadd.f32 v25, v13;
	v23 =	vmul.f32 v26, v34;
	v27 =	vsel vm4, v24, v27;
	v13 =	vpop (erf);
	(pc) =	sbr.rel @p0 .LBB2_10-.Ltmp4, $4  }
0x14c: {  	v26 =	vmul.f32 v21, v32;
	vm5 =	vgt.f32 v29, v27;
	v13 =	vmul.f32 v13, v28;
	v21 =	vpop (erf)  }
0x14d: {  	v32 =	vadd.f32 v25, v24;
	v24 =	vmul.f32 v30, v33;
	v27 =	vsel vm5, v29, v27  }
0x14e: {  	v25 =	vmul.f32 v31, v21;
	vm6 =	vgt.f32 v26, v27;
	v21 =	vmul.f32 v13, v13  }
0x14f: {  	s2 =	sadd.s32 $0x10, s2;
	v28 =	vsel vm7, $0x1, v4;
	v29 =	vadd.f32 v32, v29;
	v27 =	vsel vm6, v26, v27  }
0x150: {  	s2 =	sor.u32 s3, s31  }
0x151: {  	v57 =	vld [tilespmem:s1+$0x300];
	s2 =	sor.u32 $0x380, s2  }
0x152: {  	v30 =	vld [tilespmem:s2+$0x0]  }
0x153: {  	v31 =	vld [tilespmem:s1+$0x1000];
	v26 =	vadd.f32 v29, v26  }
0x154: {  	v32 =	vld [tilespmem:s1+$0x1080];
	v28 =	vsel vm3, $0x2, v28;
	vm3 =	vgt.f32 v25, v27  }
0x155: {  	v35 =	vmul.f32 $2.222222240e-01, v21;
	v11 =	vshrl.u32 v11, $0x17;
	v26 =	vadd.f32 v26, v25  }
0x156: {  	v28 =	vsel vm4, $0x3, v28;
	v11 =	vadd.s32 $0xFFFFFF81, v11;
	v20 =	vmax.f32 v20, v57  }
0x157: {  	v33 =	vld [tilespmem:s4+$0x2000];
	v58 =	vsel vm5, $0x4, v28;
	v26 =	vadd.f32 v26, v24;
	v20 =	vmax.f32 v20, v30  }
0x158: {  	v35 =	vadd.f32 $2.857142980e-01, v35;
	v25 =	vsel vm3, v25, v27;
	v20 =	vmax.f32 v20, v31  }
0x159: {  	v34 =	vld [tilespmem:s1+$0x2200];
	v27 =	vsel vm6, $0x5, v58;
	v26 =	vadd.f32 v26, v23;
	v20 =	vmax.f32 v20, v32  }
0x15a: {  	vm14 =	vgt.f32 v24, v25;
	v27 =	vsel vm3, $0x6, v27;
	v16 =	vsub.f32 v16, v20  }
0x15b: {  	v59 =	vld [tilespmem:s1+$0x2280];
	v35 =	vmul.f32 v35, v21;
	v26 =	vadd.f32 v26, v10;
	v18 =	vsub.f32 v18, v20  }
0x15c: {  	v24 =	vsel vm14, v24, v25;
	v22 =	vmax.f32 v22, v33;
	v16 =	vmul.f32 $1.442695020e+00, v16  }
0x15d: {  	v60 =	vld [tilespmem:s1+$0x2300];
	v15 =	vsub.f32 v15, v20;
	(erf) = vrcp.f32 v26;
	v18 =	vmul.f32 $1.442695020e+00, v18  }
0x15e: {  	v61 =	vld [tilespmem:s2+$0x2000];
	v27 =	vsel vm14, $0x7, v27;
	v22 =	vmax.f32 v22, v34;
	(erf) = vpow2.f32 v16  }
0x15f: {  	v62 =	vld [tilespmem:s1+$0x3000];
	v17 =	vsub.f32 v17, v20;
	v36 =	vmul.f32 $1.442695020e+00, v15;
	(erf) = vpow2.f32 v18  }
0x160: {  	vm3 =	vgt.f32 v23, v24;
	v38 =	vadd.f32 $4.000000060e-01, v35;
	v22 =	vmax.f32 v22, v59  }
0x161: {  	v63 =	vld [tilespmem:s1+$0x3080];
	v14 =	vsub.f32 v14, v20;
	v17 =	vmul.f32 $1.442695020e+00, v17;
	(erf) = vpow2.f32 v36  }
0x162: {  	v37 =	vsel vm3, $0x8, v27;
	v22 =	vmax.f32 v22, v60;
	v12 =	vsub.f32 v12, v20  }
0x163: {  	v22 =	vmax.f32 v22, v61;
	v14 =	vmul.f32 $1.442695020e+00, v14;
	(erf) = vpow2.f32 v17  }
0x164: {  	v22 =	vmax.f32 v22, v62;
	v40 =	vsub.f32 v57, v20;
	v43 =	vsub.f32 v30, v20  }
0x165: {  	v46 =	vsub.f32 v31, v20;
	v41 =	vmul.f32 $1.442695020e+00, v12;
	(erf) = vpow2.f32 v14  }
0x166: {  	v50 =	vsub.f32 v32, v20;
	v22 =	vmax.f32 v22, v63;
	v15 =	vsel vm3, v23, v24;
	v12 =	vpop (erf)  }
0x167: {  	v42 =	vmul.f32 $1.442695020e+00, v40;
	v26 =	vsub.f32 v61, v22;
	v44 =	vpop (erf);
	(erf) = vpow2.f32 v41  }
0x168: {  	v24 =	vmul.f32 $1.442695020e+00, v43;
	v28 =	vsub.f32 v59, v22;
	v25 =	vsub.f32 v60, v22;
	v47 =	vpop (erf)  }
0x169: {  	v54 =	vsub.f32 v33, v22;
	(erf) = vpow2.f32 v42;
	v29 =	vadd.f32 v47, v44  }
0x16a: {  	v51 =	vmul.f32 $1.442695020e+00, v46;
	v55 =	vsub.f32 v34, v22;
	v7 =	vsub.f32 v7, v22;
	v49 =	vpop (erf)  }
0x16b: {  	s0 =	sadd.s32 $0x10, s0;
	v8 =	vsub.f32 v8, v22;
	(erf) = vpow2.f32 v24;
	v27 =	vadd.f32 v29, v49  }
0x16c: {  	v30 =	vld [tilespmem:s0+$0x0];
	v31 =	vmul.f32 $1.442695020e+00, v50;
	v9 =	vsub.f32 v9, v22;
	v16 =	vsub.f32 v62, v22;
	v53 =	vpop (erf)  }
0x16d: {  	v8 =	vadd.f32 v8, v8;
	(erf) = vpow2.f32 v51;
	v27 =	vadd.f32 v27, v53  }
0x16e: {  	v39 =	vmul.f32 v38, v21;
	v9 =	vadd.f32 v9, v9;
	v26 =	vadd.f32 v26, v26;
	v56 =	vpop (erf)  }
0x16f: {  	v7 =	vadd.f32 v7, v7;
	(erf) = vpow2.f32 v31;
	v27 =	vadd.f32 v27, v56  }
0x170: {  	vm3 =	vgt.f32 v10, v15;
	v43 =	vadd.f32 v25, v25;
	v18 =	vsub.f32 v63, v22;
	v57 =	vpop (erf)  }
0x171: {  	v59 =	vadd.s32 $0x30, v30;
	v61 =	vadd.s32 $0x20, v30;
	v22 =	vadd.f32 v27, v57  }
0x172: {  	v62 =	vadd.s32 $0x10, v30;
	v16 =	vadd.f32 v16, v16;
	v8 =	vmul.f32 $1.442695020e+00, v8;
	v60 =	vpop (erf)  }
0x173: {  	v9 =	vmul.f32 $1.442695020e+00, v9;
	v7 =	vmul.f32 $1.442695020e+00, v7;
	v22 =	vadd.f32 v22, v60  }
0x174: {  	v40 =	vmul.f32 $1.442695020e+00, v26;
	v17 =	vadd.f32 $6.666666860e-01, v39;
	v18 =	vadd.f32 v18, v18;
	v63 =	vpop (erf)  }
0x175: {  	v14 =	vsel vm3, $0x9, v37;
	v37 =	vadd.f32 v55, v55;
	v22 =	vadd.f32 v22, v63  }
0x176: {  	v45 =	vshll.u32 v14, $0x9;
	v18 =	vmul.f32 $1.442695020e+00, v18;
	(erf) = vpow2.f32 v8;
	v36 =	vpop (erf)  }
0x177: {  	v29 =	vadd.f32 v54, v54;
	(erf) = vpow2.f32 v9;
	v8 =	vadd.f32 v22, v36  }
0x178: {  	v16 =	vmul.f32 $1.442695020e+00, v16;
	v48 =	vand.u32 $0x7FFFF000, v45;
	(erf) = vpow2.f32 v18;
	v38 =	vpop (erf)  }
0x179: {  	v39 =	vmul.f32 $1.442695020e+00, v29;
	(erf) = vpow2.f32 v7;
	v8 =	vadd.f32 v8, v38  }
0x17a: {  	v19 =	vor.u32 v48, v19;
	v7 =	vadd.f32 v28, v28;
	(erf) = vpow2.f32 v16  }
0x17b: {  	v9 =	vmul.f32 $1.442695020e+00, v37;
	(erf) = vpow2.f32 v39;
	v41 =	vand.u32 $0x7FFFFF, v8  }
0x17c: {  	v42 =	vld.idx.msk [tilespmem:v30+s25+$0x0], $0xffff;
	v7 =	vmul.f32 $1.442695020e+00, v7;
	(erf) = vpow2.f32 v40;
	v16 =	vor.u32 $0x3F800000, v41  }
0x17d: {  	v48 =	vadd.s32 $0x80, v30;
	v44 =	vld.idx.msk [tilespmem:v62+s25+$0x0], $0xffff;
	(erf) = vpow2.f32 v9;
	v45 =	vadd.f32 $1.000000000e+00, v16  }
0x17e: {  	v52 =	vshll.u32 v14, $0x7;
	v47 =	vadd.s32 $0x40, v30;
	(erf) = vpow2.f32 v7  }
0x17f: {  	v11 =	vcvt.s32.f32 v11;
	v58 =	vadd.s32 $0x90, v30;
	v49 =	vpop (erf);
	v7 =	vld.idx.msk [tilespmem:v61+s25+$0x0], $0xffff;
	(erf) = vrcp.f32 v45  }
0x180: {  	v50 =	vadd.s32 $0x50, v30;
	v55 =	vor.u32 s31, v2;
	v18 =	vmul.f32 $1.442695020e+00, v43;
	v51 =	vpop (erf)  }
0x181: {  	v46 =	vmul.f32 v17, v21;
	v24 =	vand.u32 $0x380, v52;
	v27 =	vld.idx.msk [tilespmem:v59+s25+$0x0], $0xffff;
	v22 =	vmul.f32 v49, v42;
	v52 =	vpop (erf)  }
0x182: {  	v21 =	vld.idx.msk [tilespmem:v48+s25+$0x0], $0xffff;
	v53 =	vadd.s32 $0x60, v30;
	v25 =	vmul.f32 v51, v44;
	v54 =	vpop (erf);
	(erf) = vpow2.f32 v18  }
0x183: {  	v19 =	vor.u32 v24, v19;
	v30 =	vadd.s32 $0x70, v30;
	v17 =	vld.idx.msk [tilespmem:v47+s25+$0x0], $0xffff;
	v57 =	vmov s31;
	v56 =	vpop (erf)  }
0x184: {  	v23 =	vld.idx.msk [tilespmem:v58+s25+$0x0], $0xffff;
	v28 =	vand.u32 $0x7F, v55;
	vm15 =	vgt.f32 v25, v22;
	v7 =	vmul.f32 v54, v7;
	v58 =	vpop (erf)  }
0x185: {  	v24 =	vld.idx.msk [tilespmem:v50+s25+$0x0], $0xffff;
	v32 =	vshll.u32 v57, $0x3;
	v9 =	vadd.f32 $2.000000000e+00, v46;
	v59 =	vsel vm15, v25, v22;
	v60 =	vpop (erf)  }
0x186: {  	v22 =	vadd.f32 v25, v22;
	v26 =	vmul.f32 v58, v27;
	vm9 =	vgt.f32 v7, v59;
	v61 =	vpop (erf)  }
0x187: {  	v62 =	vld.idx.msk [tilespmem:v53+s25+$0x0], $0xffff;
	v16 =	vadd.f32 $-1.000000000e+00, v16;
	v21 =	vmul.f32 v21, v56;
	v63 =	vsel vm9, v7, v59;
	v33 =	vpop (erf)  }
0x188: {  	v30 =	vld.idx.msk [tilespmem:v30+s25+$0x0], $0xffff;
	v7 =	vadd.f32 v22, v7;
	v17 =	vmul.f32 v17, v61;
	vm10 =	vgt.f32 v26, v63;
	v35 =	vpop (erf)  }
0x189: {  	v41 =	vsel vm15, $0x1, v4;
	v36 =	vsel vm10, v26, v63;
	v16 =	vmul.f32 v35, v16  }
0x18a: {  	v37 =	vmul.f32 v24, v33;
	v7 =	vadd.f32 v7, v26;
	vm7 =	vgt.f32 v17, v36  }
0x18b: {  	v18 =	vmul.f32 v23, v52;
	v39 =	vsel vm7, v17, v36;
	v38 =	vpop (erf);
	v40 =	vmul.f32 v16, v16  }
0x18c: {  	v7 =	vadd.f32 v7, v17;
	vm11 =	vgt.f32 v37, v39;
	v23 =	vmul.f32 v62, v38  }
0x18d: {  	v42 =	vmul.f32 v30, v60;
	v24 =	vsel vm11, v37, v39;
	v43 =	vmul.f32 $2.222222240e-01, v40  }
0x18e: {  	v26 =	vsel vm9, $0x2, v41;
	v7 =	vadd.f32 v7, v37;
	vm12 =	vgt.f32 v23, v24  }
0x18f: {  	v44 =	vsel vm10, $0x3, v26;
	v24 =	vsel vm12, v23, v24;
	v45 =	vadd.f32 $2.857142980e-01, v43  }
0x190: {  	v22 =	vsel vm7, $0x4, v44;
	v7 =	vadd.f32 v7, v23;
	vm13 =	vgt.f32 v42, v24  }
0x191: {  	v22 =	vsel vm11, $0x5, v22;
	v46 =	vsel vm13, v42, v24;
	v47 =	vmul.f32 v45, v40  }
0x192: {  	v22 =	vsel vm12, $0x6, v22;
	v7 =	vadd.f32 v7, v42;
	vm14 =	vgt.f32 v21, v46  }
0x193: {  	v48 =	vsel vm13, $0x7, v22;
	v49 =	vsel vm14, v21, v46;
	v50 =	vadd.f32 $4.000000060e-01, v47  }
0x194: {  	v7 =	vadd.f32 v7, v21;
	v17 =	vsel vm14, $0x8, v48;
	vm15 =	vgt.f32 v18, v49  }
0x195: {  	v51 =	vand.u32 $0xC00, v32;
	v17 =	vsel vm15, $0x9, v17;
	v23 =	vmul.f32 v50, v40  }
0x196: {  	v21 =	vor.u32 v51, v28;
	v7 =	vadd.f32 v7, v18;
	v52 =	vshll.u32 v17, $0x9  }
0x197: {  	v53 =	vshll.u32 v17, $0x7;
	v24 =	vand.u32 $0x7FFFF000, v52;
	v23 =	vadd.f32 $6.666666860e-01, v23  }
0x198: {  	(erf) = vrcp.f32 v7;
	v26 =	vand.u32 $0x380, v53;
	v21 =	vor.u32 v24, v21  }
0x199: {  	v8 =	vshrl.u32 v8, $0x17;
	v7 =	vor.u32 v26, v21;
	v54 =	vmul.f32 v23, v40  }
0x19a: {  	v11 =	vmul.f32 $6.931471820e-01, v11;
	v8 =	vadd.s32 $0xFFFFFF81, v8  }
0x19b: {  	v55 =	vld.idx.msk [tilespmem:v14+s26+$0x0], $0xffff;
	v9 =	vmul.f32 v9, v13;
	v8 =	vcvt.s32.f32 v8;
	v56 =	vadd.f32 $2.000000000e+00, v54  }
0x19c: {  	v19 =	vld.idx.msk [tilespmem:v19+s5+$0x0], $0xffff  }
0x19d: {  	v9 =	vadd.f32 v9, v11;
	v8 =	vmul.f32 $6.931471820e-01, v8;
	v57 =	vld.idx.msk [tilespmem:v17+s26+$0x0], $0xffff;
	v14 =	vmul.f32 v56, v16  }
0x19e: {  	v7 =	vld.idx.msk [tilespmem:v7+s5+$0x0], $0xffff  }
0x19f: {  	v10 =	vsel vm3, v10, v15;
	v5 =	vadd.f32 v9, v5;
	v8 =	vadd.f32 v14, v8  }
0x1a0: {  	v58 =	vmul.f32 v10, v12;
	v59 =	vmul.f32 $9.499999880e-01, v55  }
0x1a1: {  	v5 =	vsub.f32 v5, v19;
	v60 =	vsel vm15, v18, v49;
	v61 =	vpop (erf);
	v8 =	vadd.f32 v8, v20  }
0x1a2: {  	vm3 =	vgt.f32 v58, v59;
	v63 =	vmul.f32 $9.499999880e-01, v57;
	v62 =	vmul.f32 v60, v61  }
0x1a3: {  	v5 =	vnsel vm3, $0x0, v5;
	v7 =	vsub.f32 v8, v7  }
0x1a4: {  	v5 =	vadd.f32 v5, v6;
	vm3 =	vgt.f32 v62, v63  }
0x1a5: {  	v6 =	vnsel vm3, $0x0, v7  }
0x1a6: {  	v5 =	vadd.f32 v6, v5;
	_ =	sdelay $0x1  }
0x1a7: {  	(xrf2) =	vadd.scan.msk.f32 $0xffff, v5;
	_ =	sdelay $0x9  }
0x1a8: {  	v5, _, _ =	vpop (xrf2)  }
0x1a9: {  	v5 =	vbroadcast v5, $0xF  }
0x1aa: {  	s30 =	sadd.s32 $0x1, s30  }
0x1ab: {  	p0 =	sne.s32 s30, s10;
	v5 =	vnsel vm2, $0x0, v5  }
.Ltmp5:
0x1ac: {  	[tilespmem:$0x5180] =	vst v5;
	(pc) =	sbr.rel @p0 .LBB2_1-.Ltmp5, $4  }
0x1ad: {  	[hbm4b:s9+s5] =	stream.linear.scatter [tilespmem:s28], [sflag:$0x7], $0x80, $0x38;
	[tilespmem:$0x5200] =	vst v63  }
0x1ae: {  	_ =	swait.ge [sflag:s29], $0x80  }
0x1af: {  	[sflag:s29] =	ssyncset.done $0x0  }
0x1b0: {  	[sflag:s29] =	ssyncadd.s32 $0xFFFFFF80  }
0x1b1: {  	_ =	sfence.sel $0x180000  }
0x1b2: {  	[bflag:$0x0] =	sbarrier.arrive $0xFFFF  }
0x1b3: {  	_ =	strace $0x90000047  }
0x1b4: {  	s0 =	stileid.u32;
	[bflag:$0x2] =	sbarrier.arrive $0xFFFF  }
0x1b5: {  	p0 =	sne.s32 s0, $0x0;
	s0 =	rddreg [dreg:$0x7]  }
0x1b6: {  	s0 =	sadd.s32 @!p0 $0x100000, s0  }
0x1b7: {  	[sflag:s0] =	ssyncadd.tile.s32 @!p0 $0x1;
	_ =	shalt  }
.Lfunc_end2:
_tile_overlayer_lowered:
.L_overlay_start_2:
0x1b8: {  	(tag) =	ssettag $0x2  }
0x1b9: {  	s0 =	rddreg [dreg:$0x0];
	s2 =	stileid.u32  }
0x1ba: {  	s1 =	rddreg [dreg:$0x1];
	p0 =	sne.s32 s2, $0x0  }
0x1bb: {  	s3 =	rddreg [dreg:$0x2];
	[bflag:$0x3] =	sbarrier.arrive $0xFFFF;
	s2 =	simm.s32 @!p0 $0x1C07  }
0x1bc: {  	[timem:s3], [sflag:s2] =	dma.local @!p0 [hbm:s0], s1  }
0x1bd: {  	s0 =	simm.s32 @!p0 $0x7  }
0x1be: {  	_ =	swait.ge @!p0 [sflag:s0], s1  }
0x1bf: {  	s1 =	ssub.s32 @!p0 $0x0, s1;
	[sflag:s0] =	ssyncset.done @!p0 $0x0  }
0x1c0: {  	[sflag:s0] =	ssyncadd.s32 @!p0 s1  }
0x1c1: {  	[bflag:$0x3] =	sbarrier.arrive $0xFFFF  }
0x1c2: {  	_ =	shalt  }

</sc_bundles>
